<compile_context>
chip_gen: v7x
topology: tpu7x:2x2x1
jax: 0.10.2.dev20260603
libtpu: 0.0.44.dev20260713+nightly
codegen_flags: <defaults>
</compile_context>

<pallas_src>
import functools

import jax
import jax.numpy as jnp
from jax import lax
from jax.experimental import pallas as pl
from jax.experimental.pallas import tpu as pltpu
from jax.experimental.pallas import tpu_sc as plsc

_SCALE = 65536.0
_NSEG = 16
_SLOPE_MASK = -8388608
_B_MASK = 0x1FFFF

_EYTZ_PERM = (8, 4, 9, 2, 10, 5, 11, 1, 12, 6, 13, 3, 14, 7, 15)

_TC_ELEMS = 10485760


def _pack_tables(intercepts, signs, exps):
    sign_bit = ((1 - signs) // 2).astype(jnp.int32)
    slope_bits = (sign_bit << 31) | ((127 + exps) << 23)
    return slope_bits | (intercepts + 65536)


def _thresholds(breakpoints):
    bpf = breakpoints.astype(jnp.float32)
    pos = bpf / _SCALE
    neg = jnp.nextafter(bpf - 1.0, jnp.float32(jnp.inf)) / _SCALE
    return jnp.where(breakpoints > 0, pos, neg)



def _tc_body(t_ref, packed_ref, x_ref, o_ref):
    x = x_ref[...]
    acc = jnp.where(x >= t_ref[0], packed_ref[1], packed_ref[0])
    for j in range(1, _NSEG - 1):
        acc = jnp.where(x >= t_ref[j], packed_ref[j + 1], acc)
    slope = lax.bitcast_convert_type(acc & _SLOPE_MASK, jnp.float32)
    b = (acc & _B_MASK).astype(jnp.float32) * (1.0 / _SCALE) - 1.0
    o_ref[...] = b + slope * x


_TC_BLK = 1048576
_TC_COLS = 128


def _tc_call(x2, thresholds, packed, write_elems, out_rows):
    br = _TC_BLK // _TC_COLS
    grid = write_elems // _TC_BLK
    return pl.pallas_call(
        _tc_body,
        grid=(grid,),
        in_specs=[
            pl.BlockSpec(memory_space=pltpu.SMEM),
            pl.BlockSpec(memory_space=pltpu.SMEM),
            pl.BlockSpec((br, _TC_COLS), lambda i: (i, 0)),
        ],
        out_specs=pl.BlockSpec((br, _TC_COLS), lambda i: (i, 0)),
        out_shape=jax.ShapeDtypeStruct((out_rows, _TC_COLS), jnp.float32),
    )(thresholds, packed, x2)



_SC_CH = 16384


def _sc_table(thresholds, intercepts, signs, exps):
    b = intercepts.astype(jnp.float32) / _SCALE
    s = signs.astype(jnp.float32) * jnp.exp2(exps.astype(jnp.float32))
    z = jnp.zeros((64,), jnp.float32)
    return z.at[jnp.array(_EYTZ_PERM)].set(thresholds).at[32:48].set(b).at[48:64].set(s)


def _sc_call(x, comb, skip=0):
    n = x.shape[0]
    nw = 32
    per_w = (n - skip) // nw
    nch = per_w // _SC_CH
    assert (n - skip) % nw == 0 and per_w % _SC_CH == 0 and nch % 2 == 0
    mesh = plsc.VectorSubcoreMesh(core_axis_name="c", subcore_axis_name="s")

    @functools.partial(
        pl.kernel,
        out_type=jax.ShapeDtypeStruct((n - skip,), jnp.float32),
        mesh=mesh,
        compiler_params=pltpu.CompilerParams(needs_layout_passes=False),
        scratch_types=[
            pltpu.VMEM((64,), jnp.float32),
            pltpu.VMEM((_SC_CH,), jnp.float32),
            pltpu.VMEM((_SC_CH,), jnp.float32),
            pltpu.VMEM((_SC_CH,), jnp.float32),
            pltpu.VMEM((_SC_CH,), jnp.float32),
            pltpu.SemaphoreType.DMA,
            pltpu.SemaphoreType.DMA,
            pltpu.SemaphoreType.DMA,
            pltpu.SemaphoreType.DMA,
        ],
    )
    def sck(x_hbm, tab_hbm, o_hbm, tab_v,
            in0, in1, out0, out1, si0, si1, so0, so1):
        wid = lax.axis_index("s") * 2 + lax.axis_index("c")
        rbase = skip + wid * per_w
        base = wid * per_w
        pltpu.sync_copy(tab_hbm, tab_v)
        ins = (in0, in1)
        outs = (out0, out1)
        sis = (si0, si1)
        sos = (so0, so1)

        def start_in(g, s):
            pltpu.async_copy(
                x_hbm.at[pl.ds(rbase + g * _SC_CH, _SC_CH)], ins[s], sis[s])

        def start_out(g, s):
            pltpu.async_copy(
                outs[s], o_hbm.at[pl.ds(base + g * _SC_CH, _SC_CH)], sos[s])

        def wait_in(s):
            pltpu.make_async_copy(
                x_hbm.at[pl.ds(rbase, _SC_CH)], ins[s], sis[s]).wait()

        def wait_out(s):
            pltpu.make_async_copy(
                outs[s], o_hbm.at[pl.ds(base, _SC_CH)], sos[s]).wait()

        def compute(s):
            xin = ins[s]
            yout = outs[s]

            def vbody(o2):
                xv = xin[pl.ds(o2, 16)]
                node = jnp.ones((16,), jnp.int32)
                for _ in range(4):
                    tv = plsc.load_gather(tab_v, [node])
                    node = node + node + (xv >= tv).astype(jnp.int32)
                b = plsc.load_gather(tab_v, [node + 16])
                s = plsc.load_gather(tab_v, [node + 32])
                yout[pl.ds(o2, 16)] = b + s * xv

            plsc.parallel_loop(0, _SC_CH, 16, unroll=8)(vbody)

        start_in(0, 0)
        start_in(1, 1)

        def pair_body(g2, c):
            for s in (0, 1):
                g = 2 * g2 + s
                wait_in(s)

                @pl.when(g2 >= 1)
                def _():
                    wait_out(s)

                compute(s)

                @pl.when(g2 < nch // 2 - 1)
                def _():
                    start_in(g + 2, s)

                start_out(g, s)
            return c

        lax.fori_loop(0, nch // 2, pair_body, 0)
        wait_out(0)
        wait_out(1)

    return sck(x, comb)


def kernel(x, breakpoints, intercepts, signs, exps):
    packed = _pack_tables(intercepts, signs, exps)
    thr = _thresholds(breakpoints)
    comb = _sc_table(thr, intercepts, signs, exps)
    n = x.shape[0]
    cols = _TC_COLS
    x2 = x.reshape(n // cols, cols)
    k = min(_TC_ELEMS, n) if n % _TC_BLK == 0 else 0
    if k == 0:
        return _sc_call(x, comb).astype(x.dtype)
    if k == n:
        return _tc_call(x2, thr, packed, n, n // cols).reshape(n).astype(x.dtype)
    sc_out = _sc_call(x, comb, skip=k)
    tc_full = _tc_call(x2, thr, packed, k, n // cols)
    out = lax.dynamic_update_slice(
        tc_full, sc_out.reshape((n - k) // cols, cols), (k // cols, 0))
    return out.reshape(n).astype(x.dtype)

# --- scband reference (transcript-rebuilt; emitter-appended) ---
"""Pipeline reference for scband-placmodule-1795296330414 (READ-ONLY COPY).

The authoritative reference and input builder live on the scoring server;
editing this copy changes nothing except your own understanding.
"""

import jax, jax.numpy as jnp
import numpy as np

SCALE = 65536.0
N_SEGMENTS = 16


def setup_inputs(seed: int = 0) -> dict:
    key = jax.random.key(seed)
    k1, k2, k3, k4, k5 = jax.random.split(key, 5)
    x = jax.random.normal(k1, (16777216,), dtype=jnp.float32)
    # sorted Q16 breakpoints spanning roughly [-4.0, 4.0] in fixed point
    breakpoints = jnp.sort(jax.random.randint(k2, (N_SEGMENTS - 1,), -262144, 262144, dtype=jnp.int32))
    intercepts = jax.random.randint(k3, (N_SEGMENTS,), -65536, 65536, dtype=jnp.int32)
    signs = (2 * jax.random.randint(k4, (N_SEGMENTS,), 0, 2, dtype=jnp.int32) - 1).astype(jnp.int32)
    exps = jax.random.randint(k5, (N_SEGMENTS,), -3, 3, dtype=jnp.int32)
    return {"x": x, "breakpoints": breakpoints, "intercepts": intercepts, "signs": signs, "exps": exps}


def _plac_int32(x_q16, breakpoints, intercepts, signs, exps):
    # segment lookup: number of breakpoints <= x gives segment index in [0, n_segments-1]
    idx = jnp.searchsorted(breakpoints, x_q16, side='right')
    b = jnp.take(intercepts, idx)
    s = jnp.take(signs, idx)
    e = jnp.take(exps, idx)
    # power-of-two slope applied via shifts in Q16 fixed point
    left = jnp.left_shift(x_q16, jnp.maximum(e, 0))
    right = jnp.right_shift(x_q16, jnp.maximum(-e, 0))
    slope_term = jnp.where(e >= 0, left, right)
    return b + s * slope_term


def reference(x, breakpoints, intercepts, signs, exps):
    x_q16 = (x.astype(jnp.float32) * SCALE).astype(jnp.int32)
    y_q16 = _plac_int32(x_q16, breakpoints, intercepts, signs, exps)
    return (y_q16.astype(jnp.float32) / SCALE).astype(x.dtype)

if __name__ == "__main__":
    import jax
    _d = setup_inputs()
    print(jax.jit(kernel)(*tuple(_d.values())))

</pallas_src>

<mosaic_0001>
#map = affine_map<(d0, d1) -> (0)>
module attributes {stable_mosaic.version = 14 : i64} {
  func.func @sck(%arg0: i32, %arg1: i32, %arg2: memref<16777216xf32, #tpu.memory_space<hbm>>, %arg3: memref<64xf32, #tpu.memory_space<hbm>>, %arg4: memref<6291456xf32, #tpu.memory_space<hbm>>, %arg5: memref<64xf32, #tpu.memory_space<vmem>>, %arg6: memref<16384xf32, #tpu.memory_space<vmem>>, %arg7: memref<16384xf32, #tpu.memory_space<vmem>>, %arg8: memref<16384xf32, #tpu.memory_space<vmem>>, %arg9: memref<16384xf32, #tpu.memory_space<vmem>>, %arg10: memref<!tpu.dma_semaphore, #tpu.memory_space<semaphore_mem>>, %arg11: memref<!tpu.dma_semaphore, #tpu.memory_space<semaphore_mem>>, %arg12: memref<!tpu.dma_semaphore, #tpu.memory_space<semaphore_mem>>, %arg13: memref<!tpu.dma_semaphore, #tpu.memory_space<semaphore_mem>>) attributes {dimension_semantics = [#tpu.dimension_semantics<core_parallel>, #tpu.dimension_semantics<subcore_parallel>], iteration_bounds = array<i64: 2, 16>, scalar_prefetch = 0 : i64, scratch_operands = 9 : i64, tpu.core_type = #tpu.core_type<sc_vector_subcore>, window_params = [{transform_indices = #map}, {transform_indices = #map}, {transform_indices = #map}]} {
    %mul3A = arith.constant 2 : i32
    %mul3A_0 = arith.muli %arg1, %mul3A : i32
    %add3A = arith.addi %mul3A_0, %arg0 : i32
    %mul3A_1 = arith.constant 196608 : i32
    %mul3A_2 = arith.muli %add3A, %mul3A_1 : i32
    %add3A_3 = arith.constant 10485760 : i32
    %add3A_4 = arith.addi %add3A_3, %mul3A_2 : i32
    %mul3A_5 = arith.constant 196608 : i32
    %mul3A_6 = arith.muli %add3A, %mul3A_5 : i32
    "tpu.region"() ({
      %run_scoped3A = tpu.sem_alloc : memref<!tpu.dma_semaphore, #tpu.memory_space<semaphore_mem>>
      tpu.enqueue_dma source(%arg3 : memref<64xf32, #tpu.memory_space<hbm>>) target(%arg5 : memref<64xf32, #tpu.memory_space<vmem>>) target_semaphore(%run_scoped3A : memref<!tpu.dma_semaphore, #tpu.memory_space<semaphore_mem>>)
      tpu.wait_dma2 semaphore(%run_scoped3A : memref<!tpu.dma_semaphore, #tpu.memory_space<semaphore_mem>>) src(%arg3 : memref<64xf32, #tpu.memory_space<hbm>>) dst(%arg5 : memref<64xf32, #tpu.memory_space<vmem>>)
      tpu.yield
    }) : () -> ()
    %add3A_7 = arith.constant 0 : i32
    %add3A_8 = arith.addi %add3A_4, %add3A_7 : i32
    %dma_start3A = tpu.memref_slice %arg2[%add3A_8] : memref<16777216xf32, #tpu.memory_space<hbm>> -> memref<16384xf32, #tpu.memory_space<hbm>>
    %dma_start3A_9 = tpu.memref_slice %arg2[%add3A_8] : memref<16777216xf32, #tpu.memory_space<hbm>> -> memref<16384xf32, #tpu.memory_space<hbm>>
    tpu.enqueue_dma source(%dma_start3A_9 : memref<16384xf32, #tpu.memory_space<hbm>>) target(%arg6 : memref<16384xf32, #tpu.memory_space<vmem>>) target_semaphore(%arg10 : memref<!tpu.dma_semaphore, #tpu.memory_space<semaphore_mem>>)
    %add3A_10 = arith.constant 16384 : i32
    %add3A_11 = arith.addi %add3A_4, %add3A_10 : i32
    %dma_start3A_12 = tpu.memref_slice %arg2[%add3A_11] : memref<16777216xf32, #tpu.memory_space<hbm>> -> memref<16384xf32, #tpu.memory_space<hbm>>
    %dma_start3A_13 = tpu.memref_slice %arg2[%add3A_11] : memref<16777216xf32, #tpu.memory_space<hbm>> -> memref<16384xf32, #tpu.memory_space<hbm>>
    tpu.enqueue_dma source(%dma_start3A_13 : memref<16384xf32, #tpu.memory_space<hbm>>) target(%arg7 : memref<16384xf32, #tpu.memory_space<vmem>>) target_semaphore(%arg11 : memref<!tpu.dma_semaphore, #tpu.memory_space<semaphore_mem>>)
    %scan3A = arith.constant 0 : i32
    %scan3A_14 = arith.constant 0 : i32
    %scan3A_15 = arith.constant 6 : i32
    %scan3A_16 = arith.addi %scan3A_14, %scan3A_15 : i32
    %scan3A_17 = arith.constant 1 : i32
    scf.for %scan3A_22 = %scan3A_14 to %scan3A_16 step %scan3A_17  : i32 {
      %mul3A_23 = arith.constant 2 : i32
      %mul3A_24 = arith.muli %mul3A_23, %scan3A_22 : i32
      %add3A_25 = arith.constant 0 : i32
      %add3A_26 = arith.addi %mul3A_24, %add3A_25 : i32
      %dma_wait3A_27 = tpu.memref_slice %arg2[%add3A_4] : memref<16777216xf32, #tpu.memory_space<hbm>> -> memref<16384xf32, #tpu.memory_space<hbm>>
      %dma_wait3A_28 = tpu.memref_slice %arg2[%add3A_4] : memref<16777216xf32, #tpu.memory_space<hbm>> -> memref<16384xf32, #tpu.memory_space<hbm>>
      tpu.wait_dma2 semaphore(%arg10 : memref<!tpu.dma_semaphore, #tpu.memory_space<semaphore_mem>>) src(%dma_wait3A_28 : memref<16384xf32, #tpu.memory_space<hbm>>) dst(%arg6 : memref<16384xf32, #tpu.memory_space<vmem>>)
      %ge3A = arith.constant 1 : i32
      %ge3A_29 = arith.cmpi sge, %scan3A_22, %ge3A : i32
      %convert_element_type3A = arith.extui %ge3A_29 : i1 to i32
      %cond3A = arith.constant 0 : i32
      %cond3A_30 = arith.cmpi ne, %convert_element_type3A, %cond3A : i32
      scf.if %cond3A_30 {
        %dma_wait3A_66 = tpu.memref_slice %arg4[%mul3A_6] : memref<6291456xf32, #tpu.memory_space<hbm>> -> memref<16384xf32, #tpu.memory_space<hbm>>
        %dma_wait3A_67 = tpu.memref_slice %arg4[%mul3A_6] : memref<6291456xf32, #tpu.memory_space<hbm>> -> memref<16384xf32, #tpu.memory_space<hbm>>
        tpu.wait_dma2 semaphore(%arg12 : memref<!tpu.dma_semaphore, #tpu.memory_space<semaphore_mem>>) src(%arg8 : memref<16384xf32, #tpu.memory_space<vmem>>) dst(%dma_wait3A_67 : memref<16384xf32, #tpu.memory_space<hbm>>)
      } else {
      }
      %parallel_loop3A = arith.constant 0 : i32
      %parallel_loop3A_31 = arith.constant 16384 : i32
      %parallel_loop3A_32 = arith.constant 16 : i32
      scf.for %parallel_loop3A_66 = %parallel_loop3A to %parallel_loop3A_31 step %parallel_loop3A_32  : i32 {
        %parallel_loop3A_67 = arith.index_cast %parallel_loop3A_66 : i32 to index
        %parallel_loop3A_68 = tpu.vector_load %arg6[%parallel_loop3A_67] {strides = array<i32>} : memref<16384xf32, #tpu.memory_space<vmem>>, vector<16xf32>,
        %parallel_loop3A_69 = arith.constant 1 : i32
        %parallel_loop3A_70 = vector.broadcast %parallel_loop3A_69 : i32 to vector<16xi32>
        %parallel_loop3A_71 = tpu.vector_load_idx %arg5[%parallel_loop3A_70] : memref<64xf32, #tpu.memory_space<vmem>>[vector<16xi32>], vector<16xf32>,
        %parallel_loop3A_72 = arith.addi %parallel_loop3A_70, %parallel_loop3A_70 : vector<16xi32>
        %parallel_loop3A_73 = arith.cmpf oge, %parallel_loop3A_68, %parallel_loop3A_71 : vector<16xf32>
        %parallel_loop3A_74 = arith.extui %parallel_loop3A_73 : vector<16xi1> to vector<16xi32>
        %parallel_loop3A_75 = arith.addi %parallel_loop3A_72, %parallel_loop3A_74 : vector<16xi32>
        %parallel_loop3A_76 = tpu.vector_load_idx %arg5[%parallel_loop3A_75] : memref<64xf32, #tpu.memory_space<vmem>>[vector<16xi32>], vector<16xf32>,
        %parallel_loop3A_77 = arith.addi %parallel_loop3A_75, %parallel_loop3A_75 : vector<16xi32>
        %parallel_loop3A_78 = arith.cmpf oge, %parallel_loop3A_68, %parallel_loop3A_76 : vector<16xf32>
        %parallel_loop3A_79 = arith.extui %parallel_loop3A_78 : vector<16xi1> to vector<16xi32>
        %parallel_loop3A_80 = arith.addi %parallel_loop3A_77, %parallel_loop3A_79 : vector<16xi32>
        %parallel_loop3A_81 = tpu.vector_load_idx %arg5[%parallel_loop3A_80] : memref<64xf32, #tpu.memory_space<vmem>>[vector<16xi32>], vector<16xf32>,
        %parallel_loop3A_82 = arith.addi %parallel_loop3A_80, %parallel_loop3A_80 : vector<16xi32>
        %parallel_loop3A_83 = arith.cmpf oge, %parallel_loop3A_68, %parallel_loop3A_81 : vector<16xf32>
        %parallel_loop3A_84 = arith.extui %parallel_loop3A_83 : vector<16xi1> to vector<16xi32>
        %parallel_loop3A_85 = arith.addi %parallel_loop3A_82, %parallel_loop3A_84 : vector<16xi32>
        %parallel_loop3A_86 = tpu.vector_load_idx %arg5[%parallel_loop3A_85] : memref<64xf32, #tpu.memory_space<vmem>>[vector<16xi32>], vector<16xf32>,
        %parallel_loop3A_87 = arith.addi %parallel_loop3A_85, %parallel_loop3A_85 : vector<16xi32>
        %parallel_loop3A_88 = arith.cmpf oge, %parallel_loop3A_68, %parallel_loop3A_86 : vector<16xf32>
        %parallel_loop3A_89 = arith.extui %parallel_loop3A_88 : vector<16xi1> to vector<16xi32>
        %parallel_loop3A_90 = arith.addi %parallel_loop3A_87, %parallel_loop3A_89 : vector<16xi32>
        %parallel_loop3A_91 = arith.constant 16 : i32
        %parallel_loop3A_92 = vector.broadcast %parallel_loop3A_91 : i32 to vector<16xi32>
        %parallel_loop3A_93 = arith.addi %parallel_loop3A_90, %parallel_loop3A_92 : vector<16xi32>
        %parallel_loop3A_94 = tpu.vector_load_idx %arg5[%parallel_loop3A_93] : memref<64xf32, #tpu.memory_space<vmem>>[vector<16xi32>], vector<16xf32>,
        %parallel_loop3A_95 = arith.constant 32 : i32
        %parallel_loop3A_96 = vector.broadcast %parallel_loop3A_95 : i32 to vector<16xi32>
        %parallel_loop3A_97 = arith.addi %parallel_loop3A_90, %parallel_loop3A_96 : vector<16xi32>
        %parallel_loop3A_98 = tpu.vector_load_idx %arg5[%parallel_loop3A_97] : memref<64xf32, #tpu.memory_space<vmem>>[vector<16xi32>], vector<16xf32>,
        %parallel_loop3A_99 = arith.mulf %parallel_loop3A_98, %parallel_loop3A_68 : vector<16xf32>
        %parallel_loop3A_100 = arith.addf %parallel_loop3A_94, %parallel_loop3A_99 : vector<16xf32>
        %parallel_loop3A_101 = arith.index_cast %parallel_loop3A_66 : i32 to index
        %parallel_loop3A_102 = tpu.vector_load %arg8[%parallel_loop3A_101] {strides = array<i32>} : memref<16384xf32, #tpu.memory_space<vmem>>, vector<16xf32>,
        tpu.vector_store %arg8[%parallel_loop3A_101], %parallel_loop3A_100 {strides = array<i32>} : memref<16384xf32, #tpu.memory_space<vmem>>, vector<16xf32>,
      } {sc.loop_unroll_factor = 8 : i64, sc.parallel_access}
      %lt3A = arith.constant 5 : i32
      %lt3A_33 = arith.cmpi slt, %scan3A_22, %lt3A : i32
      %convert_element_type3A_34 = arith.extui %lt3A_33 : i1 to i32
      %cond3A_35 = arith.constant 0 : i32
      %cond3A_36 = arith.cmpi ne, %convert_element_type3A_34, %cond3A_35 : i32
      scf.if %cond3A_36 {
        %add3A_66 = arith.constant 2 : i32
        %add3A_67 = arith.addi %add3A_26, %add3A_66 : i32
        %mul3A_68 = arith.constant 16384 : i32
        %mul3A_69 = arith.muli %add3A_67, %mul3A_68 : i32
        %add3A_70 = arith.addi %add3A_4, %mul3A_69 : i32
        %dma_start3A_71 = tpu.memref_slice %arg2[%add3A_70] : memref<16777216xf32, #tpu.memory_space<hbm>> -> memref<16384xf32, #tpu.memory_space<hbm>>
        %dma_start3A_72 = tpu.memref_slice %arg2[%add3A_70] : memref<16777216xf32, #tpu.memory_space<hbm>> -> memref<16384xf32, #tpu.memory_space<hbm>>
        tpu.enqueue_dma source(%dma_start3A_72 : memref<16384xf32, #tpu.memory_space<hbm>>) target(%arg6 : memref<16384xf32, #tpu.memory_space<vmem>>) target_semaphore(%arg10 : memref<!tpu.dma_semaphore, #tpu.memory_space<semaphore_mem>>)
      } else {
      }
      %mul3A_37 = arith.constant 16384 : i32
      %mul3A_38 = arith.muli %add3A_26, %mul3A_37 : i32
      %add3A_39 = arith.addi %mul3A_6, %mul3A_38 : i32
      %dma_start3A_40 = tpu.memref_slice %arg4[%add3A_39] : memref<6291456xf32, #tpu.memory_space<hbm>> -> memref<16384xf32, #tpu.memory_space<hbm>>
      %dma_start3A_41 = tpu.memref_slice %arg4[%add3A_39] : memref<6291456xf32, #tpu.memory_space<hbm>> -> memref<16384xf32, #tpu.memory_space<hbm>>
      tpu.enqueue_dma source(%arg8 : memref<16384xf32, #tpu.memory_space<vmem>>) target(%dma_start3A_41 : memref<16384xf32, #tpu.memory_space<hbm>>) target_semaphore(%arg12 : memref<!tpu.dma_semaphore, #tpu.memory_space<semaphore_mem>>)
      %mul3A_42 = arith.constant 2 : i32
      %mul3A_43 = arith.muli %mul3A_42, %scan3A_22 : i32
      %add3A_44 = arith.constant 1 : i32
      %add3A_45 = arith.addi %mul3A_43, %add3A_44 : i32
      %dma_wait3A_46 = tpu.memref_slice %arg2[%add3A_4] : memref<16777216xf32, #tpu.memory_space<hbm>> -> memref<16384xf32, #tpu.memory_space<hbm>>
      %dma_wait3A_47 = tpu.memref_slice %arg2[%add3A_4] : memref<16777216xf32, #tpu.memory_space<hbm>> -> memref<16384xf32, #tpu.memory_space<hbm>>
      tpu.wait_dma2 semaphore(%arg11 : memref<!tpu.dma_semaphore, #tpu.memory_space<semaphore_mem>>) src(%dma_wait3A_47 : memref<16384xf32, #tpu.memory_space<hbm>>) dst(%arg7 : memref<16384xf32, #tpu.memory_space<vmem>>)
      %ge3A_48 = arith.constant 1 : i32
      %ge3A_49 = arith.cmpi sge, %scan3A_22, %ge3A_48 : i32
      %convert_element_type3A_50 = arith.extui %ge3A_49 : i1 to i32
      %cond3A_51 = arith.constant 0 : i32
      %cond3A_52 = arith.cmpi ne, %convert_element_type3A_50, %cond3A_51 : i32
      scf.if %cond3A_52 {
        %dma_wait3A_66 = tpu.memref_slice %arg4[%mul3A_6] : memref<6291456xf32, #tpu.memory_space<hbm>> -> memref<16384xf32, #tpu.memory_space<hbm>>
        %dma_wait3A_67 = tpu.memref_slice %arg4[%mul3A_6] : memref<6291456xf32, #tpu.memory_space<hbm>> -> memref<16384xf32, #tpu.memory_space<hbm>>
        tpu.wait_dma2 semaphore(%arg13 : memref<!tpu.dma_semaphore, #tpu.memory_space<semaphore_mem>>) src(%arg9 : memref<16384xf32, #tpu.memory_space<vmem>>) dst(%dma_wait3A_67 : memref<16384xf32, #tpu.memory_space<hbm>>)
      } else {
      }
      %parallel_loop3A_53 = arith.constant 0 : i32
      %parallel_loop3A_54 = arith.constant 16384 : i32
      %parallel_loop3A_55 = arith.constant 16 : i32
      scf.for %parallel_loop3A_66 = %parallel_loop3A_53 to %parallel_loop3A_54 step %parallel_loop3A_55  : i32 {
        %parallel_loop3A_67 = arith.index_cast %parallel_loop3A_66 : i32 to index
        %parallel_loop3A_68 = tpu.vector_load %arg7[%parallel_loop3A_67] {strides = array<i32>} : memref<16384xf32, #tpu.memory_space<vmem>>, vector<16xf32>,
        %parallel_loop3A_69 = arith.constant 1 : i32
        %parallel_loop3A_70 = vector.broadcast %parallel_loop3A_69 : i32 to vector<16xi32>
        %parallel_loop3A_71 = tpu.vector_load_idx %arg5[%parallel_loop3A_70] : memref<64xf32, #tpu.memory_space<vmem>>[vector<16xi32>], vector<16xf32>,
        %parallel_loop3A_72 = arith.addi %parallel_loop3A_70, %parallel_loop3A_70 : vector<16xi32>
        %parallel_loop3A_73 = arith.cmpf oge, %parallel_loop3A_68, %parallel_loop3A_71 : vector<16xf32>
        %parallel_loop3A_74 = arith.extui %parallel_loop3A_73 : vector<16xi1> to vector<16xi32>
        %parallel_loop3A_75 = arith.addi %parallel_loop3A_72, %parallel_loop3A_74 : vector<16xi32>
        %parallel_loop3A_76 = tpu.vector_load_idx %arg5[%parallel_loop3A_75] : memref<64xf32, #tpu.memory_space<vmem>>[vector<16xi32>], vector<16xf32>,
        %parallel_loop3A_77 = arith.addi %parallel_loop3A_75, %parallel_loop3A_75 : vector<16xi32>
        %parallel_loop3A_78 = arith.cmpf oge, %parallel_loop3A_68, %parallel_loop3A_76 : vector<16xf32>
        %parallel_loop3A_79 = arith.extui %parallel_loop3A_78 : vector<16xi1> to vector<16xi32>
        %parallel_loop3A_80 = arith.addi %parallel_loop3A_77, %parallel_loop3A_79 : vector<16xi32>
        %parallel_loop3A_81 = tpu.vector_load_idx %arg5[%parallel_loop3A_80] : memref<64xf32, #tpu.memory_space<vmem>>[vector<16xi32>], vector<16xf32>,
        %parallel_loop3A_82 = arith.addi %parallel_loop3A_80, %parallel_loop3A_80 : vector<16xi32>
        %parallel_loop3A_83 = arith.cmpf oge, %parallel_loop3A_68, %parallel_loop3A_81 : vector<16xf32>
        %parallel_loop3A_84 = arith.extui %parallel_loop3A_83 : vector<16xi1> to vector<16xi32>
        %parallel_loop3A_85 = arith.addi %parallel_loop3A_82, %parallel_loop3A_84 : vector<16xi32>
        %parallel_loop3A_86 = tpu.vector_load_idx %arg5[%parallel_loop3A_85] : memref<64xf32, #tpu.memory_space<vmem>>[vector<16xi32>], vector<16xf32>,
        %parallel_loop3A_87 = arith.addi %parallel_loop3A_85, %parallel_loop3A_85 : vector<16xi32>
        %parallel_loop3A_88 = arith.cmpf oge, %parallel_loop3A_68, %parallel_loop3A_86 : vector<16xf32>
        %parallel_loop3A_89 = arith.extui %parallel_loop3A_88 : vector<16xi1> to vector<16xi32>
        %parallel_loop3A_90 = arith.addi %parallel_loop3A_87, %parallel_loop3A_89 : vector<16xi32>
        %parallel_loop3A_91 = arith.constant 16 : i32
        %parallel_loop3A_92 = vector.broadcast %parallel_loop3A_91 : i32 to vector<16xi32>
        %parallel_loop3A_93 = arith.addi %parallel_loop3A_90, %parallel_loop3A_92 : vector<16xi32>
        %parallel_loop3A_94 = tpu.vector_load_idx %arg5[%parallel_loop3A_93] : memref<64xf32, #tpu.memory_space<vmem>>[vector<16xi32>], vector<16xf32>,
        %parallel_loop3A_95 = arith.constant 32 : i32
        %parallel_loop3A_96 = vector.broadcast %parallel_loop3A_95 : i32 to vector<16xi32>
        %parallel_loop3A_97 = arith.addi %parallel_loop3A_90, %parallel_loop3A_96 : vector<16xi32>
        %parallel_loop3A_98 = tpu.vector_load_idx %arg5[%parallel_loop3A_97] : memref<64xf32, #tpu.memory_space<vmem>>[vector<16xi32>], vector<16xf32>,
        %parallel_loop3A_99 = arith.mulf %parallel_loop3A_98, %parallel_loop3A_68 : vector<16xf32>
        %parallel_loop3A_100 = arith.addf %parallel_loop3A_94, %parallel_loop3A_99 : vector<16xf32>
        %parallel_loop3A_101 = arith.index_cast %parallel_loop3A_66 : i32 to index
        %parallel_loop3A_102 = tpu.vector_load %arg9[%parallel_loop3A_101] {strides = array<i32>} : memref<16384xf32, #tpu.memory_space<vmem>>, vector<16xf32>,
        tpu.vector_store %arg9[%parallel_loop3A_101], %parallel_loop3A_100 {strides = array<i32>} : memref<16384xf32, #tpu.memory_space<vmem>>, vector<16xf32>,
      } {sc.loop_unroll_factor = 8 : i64, sc.parallel_access}
      %lt3A_56 = arith.constant 5 : i32
      %lt3A_57 = arith.cmpi slt, %scan3A_22, %lt3A_56 : i32
      %convert_element_type3A_58 = arith.extui %lt3A_57 : i1 to i32
      %cond3A_59 = arith.constant 0 : i32
      %cond3A_60 = arith.cmpi ne, %convert_element_type3A_58, %cond3A_59 : i32
      scf.if %cond3A_60 {
        %add3A_66 = arith.constant 2 : i32
        %add3A_67 = arith.addi %add3A_45, %add3A_66 : i32
        %mul3A_68 = arith.constant 16384 : i32
        %mul3A_69 = arith.muli %add3A_67, %mul3A_68 : i32
        %add3A_70 = arith.addi %add3A_4, %mul3A_69 : i32
        %dma_start3A_71 = tpu.memref_slice %arg2[%add3A_70] : memref<16777216xf32, #tpu.memory_space<hbm>> -> memref<16384xf32, #tpu.memory_space<hbm>>
        %dma_start3A_72 = tpu.memref_slice %arg2[%add3A_70] : memref<16777216xf32, #tpu.memory_space<hbm>> -> memref<16384xf32, #tpu.memory_space<hbm>>
        tpu.enqueue_dma source(%dma_start3A_72 : memref<16384xf32, #tpu.memory_space<hbm>>) target(%arg7 : memref<16384xf32, #tpu.memory_space<vmem>>) target_semaphore(%arg11 : memref<!tpu.dma_semaphore, #tpu.memory_space<semaphore_mem>>)
      } else {
      }
      %mul3A_61 = arith.constant 16384 : i32
      %mul3A_62 = arith.muli %add3A_45, %mul3A_61 : i32
      %add3A_63 = arith.addi %mul3A_6, %mul3A_62 : i32
      %dma_start3A_64 = tpu.memref_slice %arg4[%add3A_63] : memref<6291456xf32, #tpu.memory_space<hbm>> -> memref<16384xf32, #tpu.memory_space<hbm>>
      %dma_start3A_65 = tpu.memref_slice %arg4[%add3A_63] : memref<6291456xf32, #tpu.memory_space<hbm>> -> memref<16384xf32, #tpu.memory_space<hbm>>
      tpu.enqueue_dma source(%arg9 : memref<16384xf32, #tpu.memory_space<vmem>>) target(%dma_start3A_65 : memref<16384xf32, #tpu.memory_space<hbm>>) target_semaphore(%arg13 : memref<!tpu.dma_semaphore, #tpu.memory_space<semaphore_mem>>)
    }
    %scan3A_18 = arith.constant 6 : i32
    %dma_wait3A = tpu.memref_slice %arg4[%mul3A_6] : memref<6291456xf32, #tpu.memory_space<hbm>> -> memref<16384xf32, #tpu.memory_space<hbm>>
    %dma_wait3A_19 = tpu.memref_slice %arg4[%mul3A_6] : memref<6291456xf32, #tpu.memory_space<hbm>> -> memref<16384xf32, #tpu.memory_space<hbm>>
    tpu.wait_dma2 semaphore(%arg12 : memref<!tpu.dma_semaphore, #tpu.memory_space<semaphore_mem>>) src(%arg8 : memref<16384xf32, #tpu.memory_space<vmem>>) dst(%dma_wait3A_19 : memref<16384xf32, #tpu.memory_space<hbm>>)
    %dma_wait3A_20 = tpu.memref_slice %arg4[%mul3A_6] : memref<6291456xf32, #tpu.memory_space<hbm>> -> memref<16384xf32, #tpu.memory_space<hbm>>
    %dma_wait3A_21 = tpu.memref_slice %arg4[%mul3A_6] : memref<6291456xf32, #tpu.memory_space<hbm>> -> memref<16384xf32, #tpu.memory_space<hbm>>
    tpu.wait_dma2 semaphore(%arg13 : memref<!tpu.dma_semaphore, #tpu.memory_space<semaphore_mem>>) src(%arg9 : memref<16384xf32, #tpu.memory_space<vmem>>) dst(%dma_wait3A_21 : memref<16384xf32, #tpu.memory_space<hbm>>)
    return
  }
}

module attributes {stable_mosaic.version = 14 : i64} {
  func.func @_tc_body(%arg0: i32, %arg1: memref<15xf32, #tpu.memory_space<smem>>, %arg2: memref<16xi32, #tpu.memory_space<smem>>, %arg3: memref<8192x128xf32, #tpu.memory_space<vmem>>, %arg4: memref<8192x128xf32, #tpu.memory_space<vmem>>) attributes {dimension_semantics = [#tpu.dimension_semantics<arbitrary>], iteration_bounds = array<i64: 10>, scalar_prefetch = 0 : i64, scratch_operands = 0 : i64, tpu.core_type = #tpu.core_type<tc>, window_params = [{transform_indices = @transform_0, window_bounds = array<i64: 15>}, {transform_indices = @transform_1, window_bounds = array<i64: 16>}, {transform_indices = @transform_2, window_bounds = array<i64: 8192, 128>}, {transform_indices = @transform_3, window_bounds = array<i64: 8192, 128>}]} {
    %get3A = arith.constant 0 : index
    %get3A_0 = arith.constant 0 : index
    %get3A_1 = vector.load %arg3[%get3A, %get3A_0] : memref<8192x128xf32, #tpu.memory_space<vmem>>, vector<8192x128xf32>
    %get3A_2 = arith.constant 0 : index
    %get3A_3 = memref.load %arg1[%get3A_2] : memref<15xf32, #tpu.memory_space<smem>>
    %ge3A = vector.broadcast %get3A_3 : f32 to vector<8192x128xf32>
    %ge3A_4 = arith.cmpf oge, %get3A_1, %ge3A : vector<8192x128xf32>
    %get3A_5 = arith.constant 1 : index
    %get3A_6 = memref.load %arg2[%get3A_5] : memref<16xi32, #tpu.memory_space<smem>>
    %get3A_7 = arith.constant 0 : index
    %get3A_8 = memref.load %arg2[%get3A_7] : memref<16xi32, #tpu.memory_space<smem>>
    %broadcast_in_dim3A = vector.broadcast %get3A_6 : i32 to vector<8192x128xi32>
    %broadcast_in_dim3A_9 = vector.broadcast %get3A_8 : i32 to vector<8192x128xi32>
    %select_n3A = arith.select %ge3A_4, %broadcast_in_dim3A, %broadcast_in_dim3A_9 : vector<8192x128xi1>, vector<8192x128xi32>
    %get3A_10 = arith.constant 1 : index
    %get3A_11 = memref.load %arg1[%get3A_10] : memref<15xf32, #tpu.memory_space<smem>>
    %ge3A_12 = vector.broadcast %get3A_11 : f32 to vector<8192x128xf32>
    %ge3A_13 = arith.cmpf oge, %get3A_1, %ge3A_12 : vector<8192x128xf32>
    %get3A_14 = arith.constant 2 : index
    %get3A_15 = memref.load %arg2[%get3A_14] : memref<16xi32, #tpu.memory_space<smem>>
    %broadcast_in_dim3A_16 = vector.broadcast %get3A_15 : i32 to vector<8192x128xi32>
    %select_n3A_17 = arith.select %ge3A_13, %broadcast_in_dim3A_16, %select_n3A : vector<8192x128xi1>, vector<8192x128xi32>
    %get3A_18 = arith.constant 2 : index
    %get3A_19 = memref.load %arg1[%get3A_18] : memref<15xf32, #tpu.memory_space<smem>>
    %ge3A_20 = vector.broadcast %get3A_19 : f32 to vector<8192x128xf32>
    %ge3A_21 = arith.cmpf oge, %get3A_1, %ge3A_20 : vector<8192x128xf32>
    %get3A_22 = arith.constant 3 : index
    %get3A_23 = memref.load %arg2[%get3A_22] : memref<16xi32, #tpu.memory_space<smem>>
    %broadcast_in_dim3A_24 = vector.broadcast %get3A_23 : i32 to vector<8192x128xi32>
    %select_n3A_25 = arith.select %ge3A_21, %broadcast_in_dim3A_24, %select_n3A_17 : vector<8192x128xi1>, vector<8192x128xi32>
    %get3A_26 = arith.constant 3 : index
    %get3A_27 = memref.load %arg1[%get3A_26] : memref<15xf32, #tpu.memory_space<smem>>
    %ge3A_28 = vector.broadcast %get3A_27 : f32 to vector<8192x128xf32>
    %ge3A_29 = arith.cmpf oge, %get3A_1, %ge3A_28 : vector<8192x128xf32>
    %get3A_30 = arith.constant 4 : index
    %get3A_31 = memref.load %arg2[%get3A_30] : memref<16xi32, #tpu.memory_space<smem>>
    %broadcast_in_dim3A_32 = vector.broadcast %get3A_31 : i32 to vector<8192x128xi32>
    %select_n3A_33 = arith.select %ge3A_29, %broadcast_in_dim3A_32, %select_n3A_25 : vector<8192x128xi1>, vector<8192x128xi32>
    %get3A_34 = arith.constant 4 : index
    %get3A_35 = memref.load %arg1[%get3A_34] : memref<15xf32, #tpu.memory_space<smem>>
    %ge3A_36 = vector.broadcast %get3A_35 : f32 to vector<8192x128xf32>
    %ge3A_37 = arith.cmpf oge, %get3A_1, %ge3A_36 : vector<8192x128xf32>
    %get3A_38 = arith.constant 5 : index
    %get3A_39 = memref.load %arg2[%get3A_38] : memref<16xi32, #tpu.memory_space<smem>>
    %broadcast_in_dim3A_40 = vector.broadcast %get3A_39 : i32 to vector<8192x128xi32>
    %select_n3A_41 = arith.select %ge3A_37, %broadcast_in_dim3A_40, %select_n3A_33 : vector<8192x128xi1>, vector<8192x128xi32>
    %get3A_42 = arith.constant 5 : index
    %get3A_43 = memref.load %arg1[%get3A_42] : memref<15xf32, #tpu.memory_space<smem>>
    %ge3A_44 = vector.broadcast %get3A_43 : f32 to vector<8192x128xf32>
    %ge3A_45 = arith.cmpf oge, %get3A_1, %ge3A_44 : vector<8192x128xf32>
    %get3A_46 = arith.constant 6 : index
    %get3A_47 = memref.load %arg2[%get3A_46] : memref<16xi32, #tpu.memory_space<smem>>
    %broadcast_in_dim3A_48 = vector.broadcast %get3A_47 : i32 to vector<8192x128xi32>
    %select_n3A_49 = arith.select %ge3A_45, %broadcast_in_dim3A_48, %select_n3A_41 : vector<8192x128xi1>, vector<8192x128xi32>
    %get3A_50 = arith.constant 6 : index
    %get3A_51 = memref.load %arg1[%get3A_50] : memref<15xf32, #tpu.memory_space<smem>>
    %ge3A_52 = vector.broadcast %get3A_51 : f32 to vector<8192x128xf32>
    %ge3A_53 = arith.cmpf oge, %get3A_1, %ge3A_52 : vector<8192x128xf32>
    %get3A_54 = arith.constant 7 : index
    %get3A_55 = memref.load %arg2[%get3A_54] : memref<16xi32, #tpu.memory_space<smem>>
    %broadcast_in_dim3A_56 = vector.broadcast %get3A_55 : i32 to vector<8192x128xi32>
    %select_n3A_57 = arith.select %ge3A_53, %broadcast_in_dim3A_56, %select_n3A_49 : vector<8192x128xi1>, vector<8192x128xi32>
    %get3A_58 = arith.constant 7 : index
    %get3A_59 = memref.load %arg1[%get3A_58] : memref<15xf32, #tpu.memory_space<smem>>
    %ge3A_60 = vector.broadcast %get3A_59 : f32 to vector<8192x128xf32>
    %ge3A_61 = arith.cmpf oge, %get3A_1, %ge3A_60 : vector<8192x128xf32>
    %get3A_62 = arith.constant 8 : index
    %get3A_63 = memref.load %arg2[%get3A_62] : memref<16xi32, #tpu.memory_space<smem>>
    %broadcast_in_dim3A_64 = vector.broadcast %get3A_63 : i32 to vector<8192x128xi32>
    %select_n3A_65 = arith.select %ge3A_61, %broadcast_in_dim3A_64, %select_n3A_57 : vector<8192x128xi1>, vector<8192x128xi32>
    %get3A_66 = arith.constant 8 : index
    %get3A_67 = memref.load %arg1[%get3A_66] : memref<15xf32, #tpu.memory_space<smem>>
    %ge3A_68 = vector.broadcast %get3A_67 : f32 to vector<8192x128xf32>
    %ge3A_69 = arith.cmpf oge, %get3A_1, %ge3A_68 : vector<8192x128xf32>
    %get3A_70 = arith.constant 9 : index
    %get3A_71 = memref.load %arg2[%get3A_70] : memref<16xi32, #tpu.memory_space<smem>>
    %broadcast_in_dim3A_72 = vector.broadcast %get3A_71 : i32 to vector<8192x128xi32>
    %select_n3A_73 = arith.select %ge3A_69, %broadcast_in_dim3A_72, %select_n3A_65 : vector<8192x128xi1>, vector<8192x128xi32>
    %get3A_74 = arith.constant 9 : index
    %get3A_75 = memref.load %arg1[%get3A_74] : memref<15xf32, #tpu.memory_space<smem>>
    %ge3A_76 = vector.broadcast %get3A_75 : f32 to vector<8192x128xf32>
    %ge3A_77 = arith.cmpf oge, %get3A_1, %ge3A_76 : vector<8192x128xf32>
    %get3A_78 = arith.constant 10 : index
    %get3A_79 = memref.load %arg2[%get3A_78] : memref<16xi32, #tpu.memory_space<smem>>
    %broadcast_in_dim3A_80 = vector.broadcast %get3A_79 : i32 to vector<8192x128xi32>
    %select_n3A_81 = arith.select %ge3A_77, %broadcast_in_dim3A_80, %select_n3A_73 : vector<8192x128xi1>, vector<8192x128xi32>
    %get3A_82 = arith.constant 10 : index
    %get3A_83 = memref.load %arg1[%get3A_82] : memref<15xf32, #tpu.memory_space<smem>>
    %ge3A_84 = vector.broadcast %get3A_83 : f32 to vector<8192x128xf32>
    %ge3A_85 = arith.cmpf oge, %get3A_1, %ge3A_84 : vector<8192x128xf32>
    %get3A_86 = arith.constant 11 : index
    %get3A_87 = memref.load %arg2[%get3A_86] : memref<16xi32, #tpu.memory_space<smem>>
    %broadcast_in_dim3A_88 = vector.broadcast %get3A_87 : i32 to vector<8192x128xi32>
    %select_n3A_89 = arith.select %ge3A_85, %broadcast_in_dim3A_88, %select_n3A_81 : vector<8192x128xi1>, vector<8192x128xi32>
    %get3A_90 = arith.constant 11 : index
    %get3A_91 = memref.load %arg1[%get3A_90] : memref<15xf32, #tpu.memory_space<smem>>
    %ge3A_92 = vector.broadcast %get3A_91 : f32 to vector<8192x128xf32>
    %ge3A_93 = arith.cmpf oge, %get3A_1, %ge3A_92 : vector<8192x128xf32>
    %get3A_94 = arith.constant 12 : index
    %get3A_95 = memref.load %arg2[%get3A_94] : memref<16xi32, #tpu.memory_space<smem>>
    %broadcast_in_dim3A_96 = vector.broadcast %get3A_95 : i32 to vector<8192x128xi32>
    %select_n3A_97 = arith.select %ge3A_93, %broadcast_in_dim3A_96, %select_n3A_89 : vector<8192x128xi1>, vector<8192x128xi32>
    %get3A_98 = arith.constant 12 : index
    %get3A_99 = memref.load %arg1[%get3A_98] : memref<15xf32, #tpu.memory_space<smem>>
    %ge3A_100 = vector.broadcast %get3A_99 : f32 to vector<8192x128xf32>
    %ge3A_101 = arith.cmpf oge, %get3A_1, %ge3A_100 : vector<8192x128xf32>
    %get3A_102 = arith.constant 13 : index
    %get3A_103 = memref.load %arg2[%get3A_102] : memref<16xi32, #tpu.memory_space<smem>>
    %broadcast_in_dim3A_104 = vector.broadcast %get3A_103 : i32 to vector<8192x128xi32>
    %select_n3A_105 = arith.select %ge3A_101, %broadcast_in_dim3A_104, %select_n3A_97 : vector<8192x128xi1>, vector<8192x128xi32>
    %get3A_106 = arith.constant 13 : index
    %get3A_107 = memref.load %arg1[%get3A_106] : memref<15xf32, #tpu.memory_space<smem>>
    %ge3A_108 = vector.broadcast %get3A_107 : f32 to vector<8192x128xf32>
    %ge3A_109 = arith.cmpf oge, %get3A_1, %ge3A_108 : vector<8192x128xf32>
    %get3A_110 = arith.constant 14 : index
    %get3A_111 = memref.load %arg2[%get3A_110] : memref<16xi32, #tpu.memory_space<smem>>
    %broadcast_in_dim3A_112 = vector.broadcast %get3A_111 : i32 to vector<8192x128xi32>
    %select_n3A_113 = arith.select %ge3A_109, %broadcast_in_dim3A_112, %select_n3A_105 : vector<8192x128xi1>, vector<8192x128xi32>
    %get3A_114 = arith.constant 14 : index
    %get3A_115 = memref.load %arg1[%get3A_114] : memref<15xf32, #tpu.memory_space<smem>>
    %ge3A_116 = vector.broadcast %get3A_115 : f32 to vector<8192x128xf32>
    %ge3A_117 = arith.cmpf oge, %get3A_1, %ge3A_116 : vector<8192x128xf32>
    %get3A_118 = arith.constant 15 : index
    %get3A_119 = memref.load %arg2[%get3A_118] : memref<16xi32, #tpu.memory_space<smem>>
    %broadcast_in_dim3A_120 = vector.broadcast %get3A_119 : i32 to vector<8192x128xi32>
    %select_n3A_121 = arith.select %ge3A_117, %broadcast_in_dim3A_120, %select_n3A_113 : vector<8192x128xi1>, vector<8192x128xi32>
    %and3A = arith.constant -8388608 : i32
    %and3A_122 = vector.broadcast %and3A : i32 to vector<8192x128xi32>
    %and3A_123 = arith.andi %select_n3A_121, %and3A_122 : vector<8192x128xi32>
    %bitcast_convert_type3A = tpu.bitcast %and3A_123 : vector<8192x128xi32> -> vector<8192x128xf32>
    %and3A_124 = arith.constant 131071 : i32
    %and3A_125 = vector.broadcast %and3A_124 : i32 to vector<8192x128xi32>
    %and3A_126 = arith.andi %select_n3A_121, %and3A_125 : vector<8192x128xi32>
    %convert_element_type3A = arith.sitofp %and3A_126 : vector<8192x128xi32> to vector<8192x128xf32>
    %mul3A = arith.constant 1.52587891E-5 : f32
    %mul3A_127 = vector.broadcast %mul3A : f32 to vector<8192x128xf32>
    %mul3A_128 = arith.mulf %convert_element_type3A, %mul3A_127 : vector<8192x128xf32>
    %sub3A = arith.constant 1.000000e+00 : f32
    %sub3A_129 = vector.broadcast %sub3A : f32 to vector<8192x128xf32>
    %sub3A_130 = arith.subf %mul3A_128, %sub3A_129 : vector<8192x128xf32>
    %mul3A_131 = arith.mulf %bitcast_convert_type3A, %get3A_1 : vector<8192x128xf32>
    %add3A = arith.addf %sub3A_130, %mul3A_131 : vector<8192x128xf32>
    %swap3A = arith.constant 0 : index
    %swap3A_132 = arith.constant 0 : index
    %swap3A_133 = vector.load %arg4[%swap3A, %swap3A_132] : memref<8192x128xf32, #tpu.memory_space<vmem>>, vector<8192x128xf32>
    tpu.vector_store %arg4[%swap3A, %swap3A_132], %add3A {strides = array<i32>} : memref<8192x128xf32, #tpu.memory_space<vmem>>, vector<8192x128xf32>,
    return
  }
  func.func @transform_0(%arg0: i32) -> i32 {
    %c0_i32 = arith.constant 0 : i32
    %c0_i32_0 = arith.constant 0 : i32
    return %c0_i32 : i32
  }
  func.func @transform_1(%arg0: i32) -> i32 {
    %c0_i32 = arith.constant 0 : i32
    %c0_i32_0 = arith.constant 0 : i32
    return %c0_i32 : i32
  }
  func.func @transform_2(%arg0: i32) -> (i32, i32) {
    %c0_i32 = arith.constant 0 : i32
    %c0_i32_0 = arith.constant 0 : i32
    return %arg0, %c0_i32 : i32, i32
  }
  func.func @transform_3(%arg0: i32) -> (i32, i32) {
    %c0_i32 = arith.constant 0 : i32
    %c0_i32_0 = arith.constant 0 : i32
    return %arg0, %c0_i32 : i32, i32
  }
}

</mosaic_0001>

<sc_bundles>
// kernel: kernel.4.cloned.1.call-start
scs
__scs_entry_jumppad:
0x0: {  	(pc) =	sbr.rel $0x88, $3  }
0x1: {  	(tag) =	ssettag $0x0;
	lr =	simm.s32 $0x1  }
0x2: {  	[smem:$0x3F9C] =	sst lr;
	_ =	strace $0xD0000000  }
0x3: {  	_ = 	snop  }
0x4: {  	_ = 	snop  }
0x5: {  	_ = 	snop  }
0x6: {  	_ = 	snop  }
0x7: {  	_ = 	snop  }
__scs_overlays_trampoline_lowered:
0x8: {  	[smem:$0x3FAB] =	sst s0  }
0x9: {  	[smem:$0x3FAC] =	sst s1  }
0xa: {  	[smem:$0x3FAD] =	sst s2  }
0xb: {  	[smem:$0x3FAE] =	sst s3  }
0xc: {  	[smem:$0x3FAF] =	sst s4  }
0xd: {  	[smem:$0x3FB0] =	sst s5  }
0xe: {  	[smem:$0x3FB1] =	sst s6  }
0xf: {  	[smem:$0x3FB2] =	sst s7  }
0x10: {  	[smem:$0x3FB3] =	sst s8  }
0x11: {  	[smem:$0x3FB4] =	sst s9;
	s0 =	simm.s32 @!p0 $0x0  }
0x12: {  	s1 =	sld [smem:$0x3F9A];
	s0 =	simm.s32 @p0 $0x1  }
0x13: {  	[smem:$0x3FB5] =	sst s0;
	s0 =	simm.s32 @!p1 $0x0  }
0x14: {  	s2 =	sld [smem:$0x3F99];
	s0 =	simm.s32 @p1 $0x1  }
0x15: {  	[smem:$0x3FB6] =	sst s0;
	s0 =	simm.s32 @!p2 $0x0  }
0x16: {  	s3 =	sld [smem:$0x3FDB];
	s0 =	simm.s32 @p2 $0x1  }
0x17: {  	s4 =	simm.s32 $0x1BF5;
	[smem:$0x3FB8] =	sst s0  }
0x18: {  	s0 =	sld [smem:$0x3F9B];
	_ =	swait.ge [sflag:s4], $0x0  }
0x19: {  	s7 =	sld [smem:$0x3F9C]  }
0x1a: {  	s8 =	sadd.s32 $0xFFFFE003, lr  }
0x1b: {  	s9 =	sadd.s32 $0xFFFFFEF7, lr;
	s5 =	simm.s32 $0xFFFFFFFF;
	p2 =	slt.u32 s8, $0xFFFFF086  }
0x1c: {  	p1 =	slt.u32 s9, $0xF7A;
	s5 =	simm.s32 @!p2 $0x0  }
0x1d: {  	s5 =	simm.s32 @p1 $0x1;
	p0 =	seq.s32 s7, s2  }
0x1e: {  	s7 =	smul.u32 @!p0 $0xF7A, s2;
	p2 =	seq.s32 @!p0 s5, $0x0  }
0x1f: {  	s9 =	smul.u32 $0xF7A, s1;
	s8 =	simm.s32 @!p0 $0x1BF5;
	p2 =	por !p2, p0  }
0x20: {  	[sflag:s8] =	ssyncset.s32 @!p0 $0xFFFFF086;
	s6 =	sadd.s32 @!p0 s3, s7;
	s7 =	simm.s32 @!p0 $0x108  }
0x21: {  	s3 =	sadd.s32 s3, s9;
	s6 =	sadd.s32 @!p0 $0x88, s6;
	s7 =	simm.s32 @p2 $0x1082  }
0x22: {  	[simem:s7], [sflag:s8] =	dma.local @!p0 [hbm:s6], $0xF7A  }
0x23: {  	s9 =	sor.u32 $0xD0000000, s2;
	s6 =	simm.s32 $0x108;
	_ =	swait.ge @!p0 [sflag:s8], $0x0  }
0x24: {  	s3 =	sadd.s32 $0x88, s3;
	s6 =	simm.s32 @!p1 $0x1082;
	[sflag:s4] =	ssyncset.s32 $0xFFFFF086  }
0x25: {  	[simem:s6], [sflag:s4] =	dma.local [hbm:s3], $0xF7A  }
0x26: {  	[smem:$0x3F9C] =	sst s1;
	(tag) =	ssettag s2;
	_ =	strace s9  }
0x27: {  	s1 =	sld [smem:$0x3FAC]  }
0x28: {  	s2 =	sld [smem:$0x3FAD]  }
0x29: {  	s4 =	sld [smem:$0x3FAF]  }
0x2a: {  	p0 =	seq.s32 s5, $0x0;
	s5 =	sld [smem:$0x3FB0]  }
0x2b: {  	s6 =	sld [smem:$0x3FB1]  }
0x2c: {  	s7 =	sld [smem:$0x3FB2]  }
0x2d: {  	s3 =	simm.s32 $0x108;
	s8 =	sld [smem:$0x3FB3]  }
0x2e: {  	s3 =	simm.s32 @!p0 $0x1082;
	s9 =	sld [smem:$0x3FB4]  }
0x2f: {  	lr =	sadd.s32 s0, s3;
	s0 =	sld [smem:$0x3FAB]  }
0x30: {  	s3 =	sld [smem:$0x3FAE]  }
0x31: {  	[smem:$0x3FB7] =	sst s10  }
0x32: {  	s10 =	sld [smem:$0x3FB5];
	_ =	sdelay $0x3  }
0x33: {  	p0 =	seq.s32 s10, $0x1;
	s10 =	sld [smem:$0x3FB7];
	_ =	sdelay $0x3  }
0x34: {  	[smem:$0x3FB7] =	sst s10  }
0x35: {  	s10 =	sld [smem:$0x3FB6];
	_ =	sdelay $0x3  }
0x36: {  	p1 =	seq.s32 s10, $0x1;
	s10 =	sld [smem:$0x3FB7];
	_ =	sdelay $0x3  }
0x37: {  	[smem:$0x3FB7] =	sst s10  }
0x38: {  	s10 =	sld [smem:$0x3FB8]  }
0x39: {  	_ = 	snop;
	(pc) =	sbr.ind lr, $3  }
0x3a: {  	_ = 	snop  }
0x3b: {  	_ = 	snop  }
0x3c: {  	p2 =	seq.s32 s10, $0x1;
	s10 =	sld [smem:$0x3FB7]  }
0x3d: {  	_ =	shalt  }
0x3e: {  	_ =	shalt  }
0x3f: {  	_ =	shalt  }
0x40: {  	_ =	shalt  }
0x41: {  	_ =	shalt  }
0x42: {  	_ =	shalt  }
0x43: {  	_ =	shalt  }
0x44: {  	_ =	shalt  }
0x45: {  	_ =	shalt  }
0x46: {  	_ =	shalt  }
0x47: {  	_ =	shalt  }
0x48: {  	_ =	shalt  }
0x49: {  	_ =	shalt  }
0x4a: {  	_ =	shalt  }
0x4b: {  	_ =	shalt  }
0x4c: {  	_ =	shalt  }
0x4d: {  	_ =	shalt  }
0x4e: {  	_ =	shalt  }
0x4f: {  	_ =	shalt  }
0x50: {  	_ =	shalt  }
0x51: {  	_ =	shalt  }
0x52: {  	_ =	shalt  }
0x53: {  	_ =	shalt  }
0x54: {  	_ =	shalt  }
0x55: {  	_ =	shalt  }
0x56: {  	_ =	shalt  }
0x57: {  	_ =	shalt  }
0x58: {  	_ =	shalt  }
0x59: {  	_ =	shalt  }
0x5a: {  	_ =	shalt  }
0x5b: {  	_ =	shalt  }
0x5c: {  	_ =	shalt  }
0x5d: {  	_ =	shalt  }
0x5e: {  	_ =	shalt  }
0x5f: {  	_ =	shalt  }
0x60: {  	_ =	shalt  }
0x61: {  	_ =	shalt  }
0x62: {  	_ =	shalt  }
0x63: {  	_ =	shalt  }
0x64: {  	_ =	shalt  }
0x65: {  	_ =	shalt  }
0x66: {  	_ =	shalt  }
0x67: {  	_ =	shalt  }
0x68: {  	_ =	shalt  }
0x69: {  	_ =	shalt  }
0x6a: {  	_ =	shalt  }
0x6b: {  	_ =	shalt  }
0x6c: {  	_ =	shalt  }
0x6d: {  	_ =	shalt  }
0x6e: {  	_ =	shalt  }
0x6f: {  	_ =	shalt  }
0x70: {  	_ =	shalt  }
0x71: {  	_ =	shalt  }
0x72: {  	_ =	shalt  }
0x73: {  	_ =	shalt  }
0x74: {  	_ =	shalt  }
0x75: {  	_ =	shalt  }
0x76: {  	_ =	shalt  }
0x77: {  	_ =	shalt  }
0x78: {  	_ =	shalt  }
0x79: {  	_ =	shalt  }
0x7a: {  	_ =	shalt  }
0x7b: {  	_ =	shalt  }
0x7c: {  	_ =	shalt  }
0x7d: {  	_ =	shalt  }
0x7e: {  	_ =	shalt  }
0x7f: {  	_ =	shalt  }
0x80: {  	_ =	shalt  }
0x81: {  	_ =	shalt  }
0x82: {  	_ =	shalt  }
0x83: {  	_ =	shalt  }
0x84: {  	_ =	shalt  }
0x85: {  	_ =	shalt  }
0x86: {  	_ =	shalt  }
0x87: {  	_ =	shalt  }
.Lfunc_end0:
.L_simem_size_0:
called_computation_lowered:
.L_overlay_start_0:
0x88: {  	s2 =	sld [smem:$0x3FD9]  }
0x89: {  	s3 =	sld [smem:$0x3FFE];
	_ =	sdelay $0x1  }
0x8a: {  	s1 =	srdreg.scid  }
0x8b: {  	s0 =	sand.u32 $0x1, s1  }
0x8c: {  	s17 =	sshll.u32 s0, $0xA;
	s2 =	sadd.s32 s3, s2  }
0x8d: {  	s2 =	sadd.s32 s2, s17  }
0x8e: {  	[smem:$0x3FC3] =	sst s2  }
0x8f: {  	_ = 	snop  }
0x90: {  	s2 =	sld [smem:$0x3FC9];
	(tm) =	ssettm $0x1  }
0x91: {  	s18 =	sld [smem:$0x3FFB];
	_ =	sdelay $0x3  }
0x92: {  	_ =	strace s18  }
0x93: {  	s3 =	sld [smem:$0x3FFC];
	_ =	sdelay $0x3  }
0x94: {  	_ =	strace s3  }
0x95: {  	s3 =	sld [smem:$0x3FFD];
	_ =	sdelay $0x3  }
0x96: {  	_ =	strace s3  }
0x97: {  	_ =	strace $0x8FFFFFFF  }
0x98: {  	s19 =	sld [smem:$0x3FDB];
	_ =	sdelay $0x1  }
0x99: {  	s4 =	simm.s32 $_scs_section_size  }
0x9a: {  	s5 =	simm.s32 $_size__tile_overlayer_lowered;
	s6 =	simm.s32 $_tile_overlayer_lowered  }
0x9b: {  	s22 =	simm.s32 $0x1BFF;
	s21 =	sshll.u32 s6, $0x1;
	s3 =	sadd.s32 s4, s19  }
0x9c: {  	s7 =	simm.s32 $0x0;
	s20 =	sshll.u32 s5, $0x1;
	s5 =	sadd.s32 s21, s3  }
0x9d: {  	[timem:s7], [sflag:s22] =	dma.local [hbm:s5], s20  }
0x9e: {  	_ =	swait.ge [sflag:s22], s20  }
0x9f: {  	s4 =	ssub.s32 $0x0, s20;
	[sflag:s22] =	ssyncset.done $0x0  }
0xa0: {  	[sflag:s22] =	ssyncadd.s32 s4;
	_ =	sdelay $0x1  }
0xa1: {  	s23 =	simm.s32 $0x1B8B  }
0xa2: {  	_ =	swait.ge [sflag:s23], $0x1  }
0xa3: {  	[sflag:s23] =	ssyncset.done $0x0  }
0xa4: {  	s25 =	simm.s32 $0x1B8E;
	s24 =	sld [smem:$0x3FFE];
	[sflag:s23] =	ssyncadd.s32 $0xFFFFFFFF  }
0xa5: {  	s26 =	simm.s32 $execute0_lowered;
	[smem:$0x3FD2] =	sst s25  }
0xa6: {  	s5 =	sshll.u32 s26, $0x1;
	_ =	strace $0x80000046;
	[dreg:$0x1] =	wrdreg $0xFFFFFFFF  }
0xa7: {  	s28 =	simm.s32 $_size_execute0_lowered;
	s3 =	sadd.s32 s3, s5;
	[dreg:$0x0] =	wrdreg $0x0  }
0xa8: {  	s5 =	sshll.u32 s28, $0x1;
	[dreg:$0x2] =	wrdreg s3  }
0xa9: {  	[dreg:$0x3] =	wrdreg s5  }
0xaa: {  	[dreg:$0x4] =	wrdreg $0xC0  }
0xab: {  	_ =	task [dreg:s7], $0x5FFFF  }
0xac: {  	[dreg:$0x1] =	wrdreg $0xFFFFFFFF  }
0xad: {  	[dreg:$0x0] =	wrdreg $0x60  }
0xae: {  	[dreg:$0x2] =	wrdreg s2  }
0xaf: {  	[dreg:$0x3] =	wrdreg s24  }
0xb0: {  	[dreg:$0x4] =	wrdreg $0x9  }
0xb1: {  	_ =	task.clear_ibuf [dreg:s7], $0x5FFFF;
	_ =	strace $0x90000046  }
0xb2: {  	s29 =	simm.s32 $0x9;
	_ =	strace $0x80000048  }
0xb3: {  	_ =	swait.ge [sflag:s29], $0x1  }
0xb4: {  	[sflag:s29] =	ssyncadd.s32 $0xFFFFFFFF  }
0xb5: {  	_ =	strace $0x90000048  }
0xb6: {  	_ =	sfence  }
0xb7: {  	s30 =	sld [smem:$0x0];
	_ =	sdelay $0x2  }
0xb8: {  	s31 =	sshll.u32 s1, $0xD;
	s1 =	sshrl.u32 s1, $0x2  }
0xb9: {  	s3 =	sand.u32 $0x4000, s31;
	s1 =	sadd.s32 s1, s30  }
0xba: {  	s0 =	sor.u32 s3, s0;
	s1 =	sshll.u32 s1, $0x11  }
0xbb: {  	s0 =	sor.u32 s1, s0  }
0xbc: {  	s0 =	sadd.s32 $0x8F2B, s0  }
0xbd: {  	[sflag:s0] =	ssyncadd.remote.s32 $0x1  }
0xbe: {  	_ =	sfence.sel $0xFFFF  }
0xbf: {  	[dreg:$0x0] =	wrdreg $0xFFFFFFFF;
	(pc) =	sbr.abs _section_cstart, $3  }
0xc0: {  	[dreg:$0x1] =	wrdreg $0xFFFFFFFF  }
0xc1: {  	_ =	task.clear_ibuf [dreg:s7], $0x2FFFF;
	_ =	strace $0x9FFFFFFF  }
0xc2: {  	(tm) =	ssettm $0x7FFFFFFF  }
0xc3: {  	_ =	shalt  }
tec
execute0_lowered:
.L_overlay_start_1:
0x0: {  	(tag) =	ssettag $0x1  }
0x1: {  	s1 =	srdreg.scid;
	s2 =	rddreg [dreg:$0x0]  }
0x2: {  	s0 =	stileid.u32;
	s6 =	rddreg [dreg:$0x1];
	s3 =	simm.s32 $0x0  }
0x3: {  	s13 =	simm.s32 $0x5;
	s14 =	simm.s32 $0x80;
	s15 =	simm.s32 $0x4080  }
0x4: {  	s16 =	simm.s32 $0x1;
	s17 =	simm.s32 $0x8080;
	s18 =	simm.s32 $0x2  }
0x5: {  	s19 =	simm.s32 $0xC080;
	s20 =	simm.s32 $0x3;
	s21 =	simm.s32 $0x4  }
0x6: {  	s5 =	sand.u32 $0x1, s1;
	s31 =	sshll.u32 s0, $0x1;
	s1 =	rddreg [dreg:$0x2]  }
0x7: {  	s22 =	simm.s32 $0x0;
	[smem:$0x7FF] =	sst s3;
	s4 =	sor.u32 s5, s31  }
0x8: {  	v0 =	vimm.s32 $0x1;
	_ =	strace $0x80000047;
	s7 =	ssub.s32 $0x2, s5;
	s4 =	smul.u32 $0x30000, s4  }
0x9: {  	s5 =	sadd.s32 $0xA00, s6;
	s6 =	sadd.s32 $0xC00, s6;
	s9 =	sshrl.u32 s7, $0x1  }
0xa: {  	s12 =	ssub.s32 s7, s9;
	s8 =	sshrl.u32 s4, $0x3;
	s9 =	sadd.s32 $0xA08000, s4  }
0xb: {  	s10 =	sadd.s32 $0xA0C000, s4;
	s11 =	sor.u32 $0x4000, s4;
	s8 =	sadd.s32 s2, s8  }
0xc: {  	v1 =	vimm.s32 $0x2;
	v2 =	vimm.s32 $0x4;
	v3 =	vimm.s32 $0x0;
	s12 =	smax.u32 s12, $0x1;
	s7 =	sadd.s32 $0x140000, s8;
	s8 =	sadd.s32 $0x140800, s8  }
.LBB2_1:
0xd: {  	[tilespmem:s3], [sflag:$0x5] =	stream.linear.gather [hbm4b:s5+s3], $0x80, $0x38;
	[tilespmem:$0x10080] =	vst v63  }
0xe: {  	_ =	swait.ge [sflag:s13], $0x80  }
0xf: {  	[sflag:s13] =	ssyncset.done $0x0  }
0x10: {  	[sflag:s13] =	ssyncadd.s32 $0xFFFFFF80  }
0x11: {  	[tilespmem:s14], [sflag:$0x1] =	stream.linear.gather [hbm4b:s7+s3], $0x4000, $0x38;
	[tilespmem:$0x10080] =	vst v63  }
0x12: {  	s23 =	simm.s32 $0x0  }
0x13: {  	[tilespmem:s15], [sflag:$0x2] =	stream.linear.gather [hbm4b:s8+s3], $0x4000, $0x38;
	[tilespmem:$0x10080] =	vst v63  }
.LBB2_2:
0x14: {  	_ =	swait.ge [sflag:s16], $0x4000  }
0x15: {  	p1 =	seq.s32 s23, $0x0;
	[sflag:s16] =	ssyncset.done $0x0  }
0x16: {  	s24 =	simm.s32 @!p1 $0x3;
	[sflag:s16] =	ssyncadd.s32 $0xFFFFC000  }
0x17: {  	_ =	swait.ge @!p1 [sflag:s24], $0x4000  }
0x18: {  	[sflag:s24] =	ssyncset.done @!p1 $0x0  }
0x19: {  	[sflag:s24] =	ssyncadd.s32 @!p1 $0xFFFFC000  }
0x1a: {  	s31 =	simm.s32 $0xC0;
	v4 =	vld.idx.msk [tilespmem:v0+s3+$0x0], $0xffff  }
0x1b: {  	v9 =	vld [tilespmem:s31+$0x30]  }
0x1c: {  	v17 =	vld [tilespmem:s31+$0xFFFFFFD0]  }
0x1d: {  	v16 =	vld [tilespmem:s31+$0xFFFFFFE0];
	_ =	sdelay $0x1  }
0x1e: {  	v13 =	vld [tilespmem:s31+$0xFFFFFFF0]  }
0x1f: {  	v15 =	vld [tilespmem:s31+$0x0];
	vm1 =	vge.f32 v9, v4  }
0x20: {  	v14 =	vld [tilespmem:s31+$0x10];
	vm2 =	vge.f32 v17, v4;
	v5 =	vsel vm1, $0x3, v1  }
0x21: {  	v18 =	vld [tilespmem:s31+$0xFFFFFFC0];
	vm3 =	vge.f32 v16, v4;
	v6 =	vsel vm2, $0x3, v1  }
0x22: {  	v12 =	vld [tilespmem:s31+$0x20];
	v7 =	vsel vm3, $0x3, v1  }
0x23: {  	vm4 =	vge.f32 v13, v4  }
0x24: {  	vm5 =	vge.f32 v15, v4;
	v8 =	vsel vm4, $0x3, v1  }
0x25: {  	vm6 =	vge.f32 v14, v4;
	v10 =	vsel vm5, $0x3, v1;
	v5 =	vld.idx.msk [tilespmem:v5+s3+$0x0], $0xffff  }
0x26: {  	vm0 =	vge.f32 v18, v4;
	v11 =	vsel vm6, $0x3, v1;
	v6 =	vld.idx.msk [tilespmem:v6+s3+$0x0], $0xffff  }
0x27: {  	vm7 =	vge.f32 v12, v4;
	v19 =	vsel vm0, $0x3, v1;
	v7 =	vld.idx.msk [tilespmem:v7+s3+$0x0], $0xffff  }
0x28: {  	v4 =	vsel vm7, $0x3, v1  }
0x29: {  	v8 =	vld.idx.msk [tilespmem:v8+s3+$0x0], $0xffff  }
0x2a: {  	v20 =	vsel vm1, $0x6, v2;
	v22 =	vsel vm3, $0x6, v2;
	v24 =	vsel vm6, $0x6, v2;
	v10 =	vld.idx.msk [tilespmem:v10+s3+$0x0], $0xffff  }
0x2b: {  	v11 =	vld.idx.msk [tilespmem:v11+s3+$0x0], $0xffff;
	vm8 =	vge.f32 v9, v5;
	v5 =	vsel vm2, $0x6, v2;
	vm1 =	vge.f32 v17, v6  }
0x2c: {  	v19 =	vld.idx.msk [tilespmem:v19+s3+$0x0], $0xffff;
	v21 =	vsel vm8, $0x1, v3;
	v23 =	vsel vm1, $0x1, v3;
	vm1 =	vge.f32 v16, v7  }
0x2d: {  	v4 =	vld.idx.msk [tilespmem:v4+s3+$0x0], $0xffff;
	v6 =	vor.u32 v21, v20;
	v20 =	vsel vm4, $0x6, v2;
	v21 =	vsel vm5, $0x6, v2  }
0x2e: {  	v5 =	vor.u32 v23, v5;
	v23 =	vsel vm1, $0x1, v3;
	vm1 =	vge.f32 v13, v8  }
0x2f: {  	v8 =	vor.u32 v23, v22;
	v22 =	vsel vm1, $0x1, v3;
	vm1 =	vge.f32 v15, v10  }
0x30: {  	v10 =	vor.u32 v22, v20;
	v20 =	vsel vm1, $0x1, v3;
	vm1 =	vge.f32 v14, v11  }
0x31: {  	vm2 =	vge.f32 v18, v19;
	v20 =	vor.u32 v20, v21;
	v21 =	vsel vm1, $0x1, v3  }
0x32: {  	v7 =	vsel vm7, $0x6, v2;
	vm1 =	vge.f32 v12, v4;
	v19 =	vor.u32 v21, v24;
	v11 =	vld.idx.msk [tilespmem:v6+s3+$0x0], $0xffff  }
0x33: {  	v23 =	vsel vm2, $0x1, v3;
	v22 =	vsel vm0, $0x6, v2;
	v21 =	vsel vm1, $0x1, v3  }
0x34: {  	v4 =	vld.idx.msk [tilespmem:v5+s3+$0x0], $0xffff;
	v7 =	vor.u32 v21, v7;
	v21 =	vor.u32 v23, v22  }
0x35: {  	v22 =	vld.idx.msk [tilespmem:v8+s3+$0x0], $0xffff  }
0x36: {  	v23 =	vld.idx.msk [tilespmem:v10+s3+$0x0], $0xffff  }
0x37: {  	v5 =	vshll.u32 v5, $0x1;
	v6 =	vshll.u32 v6, $0x1;
	v25 =	vld.idx.msk [tilespmem:v19+s3+$0x0], $0xffff;
	vm0 =	vge.f32 v9, v11  }
0x38: {  	v8 =	vshll.u32 v8, $0x1;
	v19 =	vshll.u32 v19, $0x1;
	v11 =	vld.idx.msk [tilespmem:v20+s3+$0x0], $0xffff;
	v24 =	vsel vm0, $0x1, v3  }
0x39: {  	v26 =	vld.idx.msk [tilespmem:v21+s3+$0x0], $0xffff;
	vm0 =	vge.f32 v17, v4;
	v4 =	vor.u32 v24, v6;
	v6 =	vshll.u32 v10, $0x1  }
0x3a: {  	v10 =	vshll.u32 v20, $0x1;
	v20 =	vld.idx.msk [tilespmem:v7+s3+$0x0], $0xffff;
	v24 =	vsel vm0, $0x1, v3;
	vm0 =	vge.f32 v16, v22  }
0x3b: {  	v5 =	vor.u32 v24, v5;
	v22 =	vsel vm0, $0x1, v3;
	vm0 =	vge.f32 v13, v23  }
0x3c: {  	v21 =	vshll.u32 v21, $0x1;
	v8 =	vor.u32 v22, v8;
	v22 =	vsel vm0, $0x1, v3  }
0x3d: {  	v7 =	vshll.u32 v7, $0x1;
	vm0 =	vge.f32 v15, v11;
	v6 =	vor.u32 v22, v6  }
0x3e: {  	vm1 =	vge.f32 v18, v26;
	v11 =	vsel vm0, $0x1, v3;
	vm0 =	vge.f32 v14, v25  }
0x3f: {  	v22 =	vld.idx.msk [tilespmem:v4+s3+$0x0], $0xffff;
	v10 =	vor.u32 v11, v10;
	v11 =	vsel vm0, $0x1, v3;
	vm0 =	vge.f32 v12, v20  }
0x40: {  	v23 =	vsel vm1, $0x1, v3;
	v20 =	vld.idx.msk [tilespmem:v5+s3+$0x0], $0xffff;
	v11 =	vor.u32 v11, v19;
	v19 =	vsel vm0, $0x1, v3  }
0x41: {  	v7 =	vor.u32 v19, v7;
	v19 =	vor.u32 v23, v21;
	v21 =	vld.idx.msk [tilespmem:v8+s3+$0x0], $0xffff  }
0x42: {  	v23 =	vld.idx.msk [tilespmem:v6+s3+$0x0], $0xffff;
	_ =	sdelay $0x1  }
0x43: {  	v4 =	vshll.u32 v4, $0x1;
	v5 =	vshll.u32 v5, $0x1;
	vm0 =	vge.f32 v9, v22  }
0x44: {  	v8 =	vshll.u32 v8, $0x1;
	v22 =	vld.idx.msk [tilespmem:v10+s3+$0x0], $0xffff;
	v24 =	vsel vm0, $0x1, v3;
	vm0 =	vge.f32 v17, v20  }
0x45: {  	v25 =	vld.idx.msk [tilespmem:v11+s3+$0x0], $0xffff;
	v4 =	vor.u32 v24, v4;
	v26 =	vsel vm0, $0x1, v3;
	vm0 =	vge.f32 v16, v21  }
0x46: {  	v28 =	vsel vm0, $0x1, v3;
	vm0 =	vge.f32 v13, v23;
	v23 =	vadd.s32 $0x10, v4  }
0x47: {  	v6 =	vshll.u32 v6, $0x1;
	v20 =	vshll.u32 v19, $0x1;
	v24 =	vld.idx.msk [tilespmem:v7+s3+$0x0], $0xffff;
	v27 =	vand.u32 $0x5F, v4  }
0x48: {  	s25 =	simm.s32 $0x140;
	v11 =	vshll.u32 v11, $0x1;
	v19 =	vld.idx.msk [tilespmem:v19+s3+$0x0], $0xffff;
	v26 =	vor.u32 v26, v5;
	v5 =	vor.u32 $0x20, v27  }
0x49: {  	v4 =	vld [tilespmem:s25+$0x30];
	v21 =	vand.u32 $0x5F, v26;
	v29 =	vsel vm0, $0x1, v3;
	vm0 =	vge.f32 v15, v22  }
0x4a: {  	v27 =	vld.idx.msk [tilespmem:v0+s3+$0x0], $0xffff;
	v22 =	vor.u32 v28, v8;
	v8 =	vsel vm0, $0x1, v3;
	vm0 =	vge.f32 v14, v25  }
0x4b: {  	v26 =	vadd.s32 $0x10, v26;
	v25 =	vor.u32 v29, v6;
	v6 =	vsel vm0, $0x1, v3;
	v23 =	vld.idx.msk [tilespmem:v23+s3+$0x0], $0xffff  }
0x4c: {  	v10 =	vshll.u32 v10, $0x1;
	v7 =	vshll.u32 v7, $0x1;
	v28 =	vor.u32 v6, v11;
	v6 =	vld [tilespmem:s25+$0xFFFFFFE0]  }
0x4d: {  	v21 =	vor.u32 $0x20, v21;
	vm0 =	vge.f32 v12, v24;
	vm1 =	vge.f32 v18, v19;
	v19 =	vld.idx.msk [tilespmem:v5+s3+$0x0], $0xffff  }
0x4e: {  	v24 =	vor.u32 v8, v10;
	v30 =	vand.u32 $0x5F, v25;
	v8 =	vsel vm0, $0x1, v3;
	v5 =	vld [tilespmem:s25+$0xFFFFFFD0]  }
0x4f: {  	v10 =	vsel vm1, $0x1, v3;
	v29 =	vor.u32 v8, v7;
	vm0 =	vge.f32 v4, v27;
	v7 =	vld [tilespmem:s25+$0xFFFFFFF0]  }
0x50: {  	v20 =	vor.u32 v10, v20;
	v10 =	vand.u32 $0x5F, v22;
	v26 =	vld.idx.msk [tilespmem:v26+s3+$0x0], $0xffff;
	v11 =	vsel vm0, $0x3, v1  }
0x51: {  	v25 =	vadd.s32 $0x10, v25;
	v31 =	vand.u32 $0x5F, v24;
	v35 =	vor.u32 $0x20, v10;
	v10 =	vld [tilespmem:s25+$0x10]  }
0x52: {  	v30 =	vor.u32 $0x20, v30;
	v32 =	vand.u32 $0x5F, v28;
	v8 =	vand.u32 $0x5F, v20;
	v21 =	vld.idx.msk [tilespmem:v21+s3+$0x0], $0xffff  }
0x53: {  	v24 =	vadd.s32 $0x10, v24;
	v32 =	vor.u32 $0x20, v32;
	v33 =	vor.u32 $0x20, v8;
	v8 =	vld [tilespmem:s25+$0x0]  }
0x54: {  	v31 =	vor.u32 $0x20, v31;
	v22 =	vadd.s32 $0x10, v22;
	v19 =	vmul.f32 v19, v9;
	v9 =	vld [tilespmem:s25+$0x20]  }
0x55: {  	v28 =	vadd.s32 $0x10, v28;
	v20 =	vadd.s32 $0x10, v20;
	vm1 =	vge.f32 v5, v27;
	v38 =	vld.idx.msk [tilespmem:v11+s3+$0x0], $0xffff  }
0x56: {  	v36 =	vsel vm1, $0x3, v1;
	v37 =	vsel vm1, $0x6, v2;
	vm1 =	vge.f32 v6, v27;
	v11 =	vld [tilespmem:s25+$0xFFFFFFC0]  }
0x57: {  	vm2 =	vge.f32 v7, v27;
	v35 =	vld.idx.msk [tilespmem:v35+s3+$0x0], $0xffff;
	v19 =	vadd.f32 v19, v23;
	v23 =	vsel vm1, $0x3, v1  }
0x58: {  	v40 =	vsel vm2, $0x3, v1;
	v32 =	vld.idx.msk [tilespmem:v32+s3+$0x0], $0xffff;
	v39 =	vsel vm1, $0x6, v2;
	vm1 =	vge.f32 v8, v27  }
0x59: {  	v41 =	vsel vm2, $0x6, v2;
	vm2 =	vge.f32 v10, v27;
	v33 =	vld.idx.msk [tilespmem:v33+s3+$0x0], $0xffff;
	v42 =	vsel vm1, $0x3, v1  }
0x5a: {  	v34 =	vand.u32 $0x5F, v29;
	v45 =	vsel vm0, $0x6, v2;
	v20 =	vld.idx.msk [tilespmem:v20+s3+$0x0], $0xffff;
	v44 =	vsel vm2, $0x3, v1  }
0x5b: {  	v43 =	vsel vm1, $0x6, v2;
	vm1 =	vge.f32 v9, v27;
	v36 =	vld.idx.msk [tilespmem:v36+s3+$0x0], $0xffff;
	vm0 =	vge.f32 v4, v38  }
0x5c: {  	v38 =	vsel vm0, $0x1, v3;
	vm0 =	vge.f32 v11, v27;
	v27 =	vsel vm1, $0x3, v1;
	v23 =	vld.idx.msk [tilespmem:v23+s3+$0x0], $0xffff  }
0x5d: {  	v34 =	vor.u32 $0x20, v34;
	v46 =	vsel vm2, $0x6, v2;
	v40 =	vld.idx.msk [tilespmem:v40+s3+$0x0], $0xffff;
	v59 =	vsel vm0, $0x3, v1  }
0x5e: {  	v47 =	vsel vm1, $0x6, v2;
	v18 =	vmul.f32 v33, v18;
	v33 =	vmul.f32 v21, v17;
	v42 =	vld.idx.msk [tilespmem:v42+s3+$0x0], $0xffff  }
0x5f: {  	v25 =	vld.idx.msk [tilespmem:v25+s3+$0x0], $0xffff;
	v14 =	vmul.f32 v32, v14;
	v38 =	vor.u32 v38, v45;
	v48 =	vsel vm0, $0x6, v2  }
0x60: {  	v44 =	vld.idx.msk [tilespmem:v44+s3+$0x0], $0xffff;
	v57 =	vadd.f32 v18, v20;
	v26 =	vadd.f32 v33, v26;
	vm0 =	vge.f32 v5, v36  }
0x61: {  	v36 =	vadd.s32 $0x10, v29;
	v27 =	vld.idx.msk [tilespmem:v27+s3+$0x0], $0xffff;
	v29 =	vsel vm0, $0x1, v3;
	vm0 =	vge.f32 v6, v23  }
0x62: {  	v23 =	vmul.f32 v35, v16;
	v45 =	vld.idx.msk [tilespmem:v59+s3+$0x0], $0xffff;
	v17 =	vor.u32 v29, v37;
	v29 =	vsel vm0, $0x1, v3  }
0x63: {  	v16 =	vld.idx.msk [tilespmem:v30+s3+$0x0], $0xffff;
	vm0 =	vge.f32 v7, v40;
	vm1 =	vge.f32 v8, v42;
	v21 =	vshll.u32 v17, $0x1  }
0x64: {  	v30 =	vld.idx.msk [tilespmem:v31+s3+$0x0], $0xffff;
	v29 =	vor.u32 v29, v39;
	v31 =	vsel vm0, $0x1, v3;
	v60 =	vsel vm1, $0x1, v3  }
0x65: {  	v61 =	vld.idx.msk [tilespmem:v38+s3+$0x0], $0xffff;
	vm0 =	vge.f32 v10, v44;
	v31 =	vor.u32 v31, v41;
	v35 =	vor.u32 v60, v43  }
0x66: {  	v24 =	vld.idx.msk [tilespmem:v24+s3+$0x0], $0xffff;
	v62 =	vsel vm0, $0x1, v3;
	v50 =	vshll.u32 v29, $0x1;
	vm0 =	vge.f32 v9, v27  }
0x67: {  	v63 =	vor.u32 v62, v46;
	v27 =	vld.idx.msk [tilespmem:v34+s3+$0x0], $0xffff;
	vm1 =	vge.f32 v11, v45;
	v46 =	vsel vm0, $0x1, v3  }
0x68: {  	v51 =	vshll.u32 v31, $0x1;
	v17 =	vld.idx.msk [tilespmem:v17+s3+$0x0], $0xffff;
	v49 =	vsel vm1, $0x1, v3;
	v39 =	vor.u32 v46, v47  }
0x69: {  	v43 =	vshll.u32 v35, $0x1;
	v13 =	vmul.f32 v16, v13;
	v29 =	vld.idx.msk [tilespmem:v29+s3+$0x0], $0xffff;
	v40 =	vor.u32 v49, v48  }
0x6a: {  	v53 =	vshll.u32 v63, $0x1;
	v15 =	vmul.f32 v30, v15;
	vm0 =	vge.f32 v4, v61;
	v31 =	vld.idx.msk [tilespmem:v31+s3+$0x0], $0xffff  }
0x6b: {  	v16 =	vshll.u32 v38, $0x1;
	v55 =	vsel vm0, $0x1, v3;
	v13 =	vadd.f32 v13, v25;
	v35 =	vld.idx.msk [tilespmem:v35+s3+$0x0], $0xffff  }
0x6c: {  	s26 =	simm.s32 $0x80C0;
	v54 =	vshll.u32 v39, $0x1;
	v56 =	vor.u32 v55, v16;
	v52 =	vshll.u32 v40, $0x1;
	v30 =	vld.idx.msk [tilespmem:v63+s3+$0x0], $0xffff  }
0x6d: {  	[tilespmem:s26+$0x30] =	vst v19;
	v19 =	vshll.u32 v56, $0x1;
	v63 =	vadd.f32 v15, v24;
	vm0 =	vge.f32 v5, v17;
	v17 =	vld.idx.msk [tilespmem:v39+s3+$0x0], $0xffff  }
0x6e: {  	v12 =	vmul.f32 v27, v12;
	v16 =	vsel vm0, $0x1, v3;
	vm0 =	vge.f32 v6, v29;
	v27 =	vld.idx.msk [tilespmem:v40+s3+$0x0], $0xffff  }
0x6f: {  	v16 =	vor.u32 v16, v21;
	v18 =	vsel vm0, $0x1, v3;
	vm0 =	vge.f32 v7, v31  }
0x70: {  	v20 =	vor.u32 v18, v50;
	v18 =	vsel vm0, $0x1, v3;
	vm0 =	vge.f32 v8, v35  }
0x71: {  	v58 =	vor.u32 v18, v51;
	v18 =	vsel vm0, $0x1, v3;
	vm0 =	vge.f32 v10, v30;
	v30 =	vld.idx.msk [tilespmem:v56+s3+$0x0], $0xffff  }
0x72: {  	v31 =	vld.idx.msk [tilespmem:v22+s3+$0x0], $0xffff;
	v59 =	vor.u32 v18, v43;
	v18 =	vsel vm0, $0x1, v3;
	vm0 =	vge.f32 v9, v17  }
0x73: {  	v28 =	vld.idx.msk [tilespmem:v28+s3+$0x0], $0xffff;
	vm1 =	vge.f32 v11, v27;
	v27 =	vor.u32 v18, v53;
	v17 =	vsel vm0, $0x1, v3  }
0x74: {  	v29 =	vshll.u32 v16, $0x1;
	v60 =	vld.idx.msk [tilespmem:v16+s3+$0x0], $0xffff;
	v16 =	vsel vm1, $0x1, v3;
	v61 =	vor.u32 v17, v54  }
0x75: {  	v22 =	vshll.u32 v20, $0x1;
	v21 =	vshll.u32 v58, $0x1;
	v41 =	vld.idx.msk [tilespmem:v20+s3+$0x0], $0xffff;
	v62 =	vor.u32 v16, v52  }
0x76: {  	v18 =	vshll.u32 v59, $0x1;
	v17 =	vshll.u32 v27, $0x1;
	v35 =	vld.idx.msk [tilespmem:v58+s3+$0x0], $0xffff;
	vm0 =	vge.f32 v4, v30  }
0x77: {  	v16 =	vshll.u32 v61, $0x1;
	v30 =	vadd.f32 v23, v31;
	v31 =	vld.idx.msk [tilespmem:v59+s3+$0x0], $0xffff;
	v23 =	vsel vm0, $0x1, v3  }
0x78: {  	[tilespmem:s26+$0xFFFFFFC0] =	vst v57;
	v20 =	vshll.u32 v62, $0x1;
	v32 =	vor.u32 v23, v19;
	v19 =	vadd.f32 v14, v28;
	v24 =	vld.idx.msk [tilespmem:v27+s3+$0x0], $0xffff  }
0x79: {  	[tilespmem:s26+$0xFFFFFFD0] =	vst v26;
	vm0 =	vge.f32 v5, v60;
	v25 =	vand.u32 $0x5F, v32;
	v26 =	vadd.s32 $0x10, v32;
	v23 =	vld.idx.msk [tilespmem:v61+s3+$0x0], $0xffff  }
0x7a: {  	[tilespmem:s26+$0xFFFFFFF0] =	vst v13;
	v15 =	vsel vm0, $0x1, v3;
	vm0 =	vge.f32 v6, v41;
	v25 =	vor.u32 $0x20, v25;
	v27 =	vld.idx.msk [tilespmem:v62+s3+$0x0], $0xffff  }
0x7b: {  	[tilespmem:s26+$0x0] =	vst v63;
	v14 =	vor.u32 v15, v29;
	v29 =	vsel vm0, $0x1, v3;
	vm0 =	vge.f32 v7, v35  }
0x7c: {  	s29 =	simm.s32 $0x80;
	s28 =	simm.s32 $0x80C0;
	s24 =	sshll.u32 s23, $0xF;
	v13 =	vld.idx.msk [tilespmem:v36+s3+$0x0], $0xffff;
	[tilespmem:s26+$0xFFFFFFE0] =	vst v30;
	v15 =	vand.u32 $0x5F, v14;
	v28 =	vsel vm0, $0x1, v3;
	vm0 =	vge.f32 v8, v31  }
.LBB2_3:
0x7d: {  	v30 =	vld.idx.msk [tilespmem:v0+s3+$0x0], $0xffff;
	s29 =	sadd.s32 $0x80, s29;
	v22 =	vor.u32 v29, v22;
	v29 =	vsel vm0, $0x1, v3;
	vm0 =	vge.f32 v10, v24;
	s25 =	sadd.s32 $0x80, s25;
	[tilespmem:s26+$0x10] =	vst v19  }
0x7e: {  	v21 =	vor.u32 v28, v21;
	v24 =	vld [tilespmem:s25+$0x30];
	p0 =	slt.u32 s29, $0x3F80;
	v19 =	vsel vm0, $0x1, v3;
	vm0 =	vge.f32 v9, v23  }
0x7f: {  	vm1 =	vge.f32 v11, v27;
	v23 =	vor.u32 v29, v18;
	v18 =	vsel vm0, $0x1, v3;
	v25 =	vld.idx.msk [tilespmem:v25+s3+$0x0], $0xffff  }
0x80: {  	v28 =	vsel vm1, $0x1, v3;
	v29 =	vor.u32 v19, v17;
	v27 =	vld [tilespmem:s25+$0xFFFFFFD0];
	v31 =	vor.u32 v18, v16  }
0x81: {  	v20 =	vor.u32 v28, v20;
	v16 =	vand.u32 $0x5F, v22;
	v18 =	vand.u32 $0x5F, v21;
	v26 =	vld.idx.msk [tilespmem:v26+s3+$0x0], $0xffff  }
0x82: {  	v32 =	vand.u32 $0x5F, v23;
	v33 =	vand.u32 $0x5F, v29;
	v19 =	vand.u32 $0x5F, v20;
	v28 =	vld [tilespmem:s25+$0xFFFFFFE0]  }
0x83: {  	v35 =	vand.u32 $0x5F, v31;
	v34 =	vor.u32 $0x20, v19;
	v17 =	vld [tilespmem:s25+$0xFFFFFFF0];
	vm0 =	vge.f32 v24, v30  }
0x84: {  	v15 =	vor.u32 $0x20, v15;
	v37 =	vor.u32 $0x20, v16;
	v19 =	vld [tilespmem:s25+$0x0];
	v36 =	vsel vm0, $0x3, v1  }
0x85: {  	v38 =	vor.u32 $0x20, v18;
	v25 =	vmul.f32 v25, v4;
	v4 =	vmovc v24;
	vm1 =	vge.f32 v27, v30;
	v16 =	vld [tilespmem:s25+$0x10]  }
0x86: {  	v32 =	vor.u32 $0x20, v32;
	v24 =	vsel vm1, $0x3, v1;
	v39 =	vsel vm1, $0x6, v2;
	v18 =	vld [tilespmem:s25+$0x20]  }
0x87: {  	v33 =	vor.u32 $0x20, v33;
	v25 =	vadd.f32 v25, v26;
	v40 =	vld [tilespmem:s25+$0xFFFFFFC0];
	vm1 =	vge.f32 v28, v30  }
0x88: {  	s26 =	sadd.s32 $0x80, s26;
	v26 =	vsel vm1, $0x3, v1;
	v41 =	vsel vm1, $0x6, v2;
	vm1 =	vge.f32 v17, v30;
	v34 =	vld.idx.msk [tilespmem:v34+s3+$0x0], $0xffff  }
0x89: {  	v42 =	vsel vm1, $0x3, v1;
	v43 =	vsel vm1, $0x6, v2;
	vm1 =	vge.f32 v19, v30;
	v36 =	vld.idx.msk [tilespmem:v36+s3+$0x0], $0xffff;
	[tilespmem:s26+$0x30] =	vst v25  }
0x8a: {  	v25 =	vsel vm1, $0x3, v1;
	v44 =	vsel vm1, $0x6, v2;
	vm1 =	vge.f32 v16, v30;
	v45 =	vld.idx.msk [tilespmem:v15+s3+$0x0], $0xffff  }
0x8b: {  	v15 =	vld.idx.msk [tilespmem:v24+s3+$0x0], $0xffff;
	v24 =	vsel vm1, $0x3, v1;
	v46 =	vsel vm1, $0x6, v2;
	vm1 =	vge.f32 v18, v30  }
0x8c: {  	vm2 =	vge.f32 v40, v30;
	v30 =	vsel vm1, $0x3, v1;
	v47 =	vsel vm1, $0x6, v2;
	v37 =	vld.idx.msk [tilespmem:v37+s3+$0x0], $0xffff  }
0x8d: {  	v35 =	vor.u32 $0x20, v35;
	v48 =	vsel vm2, $0x3, v1;
	v49 =	vsel vm2, $0x6, v2;
	v26 =	vld.idx.msk [tilespmem:v26+s3+$0x0], $0xffff  }
0x8e: {  	v14 =	vadd.s32 $0x10, v14;
	v22 =	vadd.s32 $0x10, v22;
	v20 =	vadd.s32 $0x10, v20;
	v42 =	vld.idx.msk [tilespmem:v42+s3+$0x0], $0xffff  }
0x8f: {  	v23 =	vadd.s32 $0x10, v23;
	v21 =	vadd.s32 $0x10, v21;
	vm1 =	vge.f32 v4, v36;
	v25 =	vld.idx.msk [tilespmem:v25+s3+$0x0], $0xffff  }
0x90: {  	v29 =	vadd.s32 $0x10, v29;
	v36 =	vsel vm0, $0x6, v2;
	v50 =	vsel vm1, $0x1, v3;
	v24 =	vld.idx.msk [tilespmem:v24+s3+$0x0], $0xffff  }
0x91: {  	vm0 =	vge.f32 v27, v15;
	v36 =	vor.u32 v50, v36;
	v15 =	vadd.s32 $0x10, v31;
	v30 =	vld.idx.msk [tilespmem:v30+s3+$0x0], $0xffff  }
0x92: {  	v34 =	vmul.f32 v34, v11;
	v45 =	vmul.f32 v45, v5;
	v5 =	vmovc v27;
	v31 =	vld.idx.msk [tilespmem:v48+s3+$0x0], $0xffff;
	v48 =	vsel vm0, $0x1, v3  }
0x93: {  	vm0 =	vge.f32 v28, v26;
	v26 =	vmul.f32 v37, v6;
	v27 =	vor.u32 v48, v39;
	v37 =	vld.idx.msk [tilespmem:v38+s3+$0x0], $0xffff  }
0x94: {  	v11 =	vmovc v40;
	v6 =	vmovc v28;
	v39 =	vsel vm0, $0x1, v3;
	vm0 =	vge.f32 v17, v42;
	v38 =	vshll.u32 v27, $0x1;
	v32 =	vld.idx.msk [tilespmem:v32+s3+$0x0], $0xffff  }
0x95: {  	v28 =	vor.u32 v39, v41;
	v39 =	vsel vm0, $0x1, v3;
	vm0 =	vge.f32 v19, v25;
	v25 =	vld.idx.msk [tilespmem:v33+s3+$0x0], $0xffff  }
0x96: {  	v33 =	vor.u32 v39, v43;
	v39 =	vsel vm0, $0x1, v3;
	vm0 =	vge.f32 v16, v24;
	v24 =	vld.idx.msk [tilespmem:v36+s3+$0x0], $0xffff  }
0x97: {  	v39 =	vor.u32 v39, v44;
	v40 =	vsel vm0, $0x1, v3;
	vm0 =	vge.f32 v18, v30;
	v30 =	vld.idx.msk [tilespmem:v35+s3+$0x0], $0xffff  }
0x98: {  	vm1 =	vge.f32 v11, v31;
	v31 =	vor.u32 v40, v46;
	v35 =	vsel vm0, $0x1, v3;
	v27 =	vld.idx.msk [tilespmem:v27+s3+$0x0], $0xffff  }
0x99: {  	v41 =	vshll.u32 v28, $0x1;
	v40 =	vsel vm1, $0x1, v3;
	v35 =	vor.u32 v35, v47;
	v20 =	vld.idx.msk [tilespmem:v20+s3+$0x0], $0xffff  }
0x9a: {  	v42 =	vshll.u32 v33, $0x1;
	v43 =	vshll.u32 v39, $0x1;
	v40 =	vor.u32 v40, v49;
	v28 =	vld.idx.msk [tilespmem:v28+s3+$0x0], $0xffff  }
0x9b: {  	v46 =	vshll.u32 v31, $0x1;
	v47 =	vshll.u32 v35, $0x1;
	v44 =	vshll.u32 v40, $0x1;
	v33 =	vld.idx.msk [tilespmem:v33+s3+$0x0], $0xffff  }
0x9c: {  	v37 =	vmul.f32 v37, v7;
	v32 =	vmul.f32 v32, v8;
	vm0 =	vge.f32 v4, v24;
	v39 =	vld.idx.msk [tilespmem:v39+s3+$0x0], $0xffff  }
0x9d: {  	v7 =	vmovc v17;
	v8 =	vmovc v19;
	v25 =	vmul.f32 v25, v10;
	v24 =	vld.idx.msk [tilespmem:v31+s3+$0x0], $0xffff;
	v31 =	vshll.u32 v36, $0x1;
	v36 =	vsel vm0, $0x1, v3  }
0x9e: {  	vm0 =	vge.f32 v5, v27;
	v27 =	vmul.f32 v30, v9;
	v17 =	vld.idx.msk [tilespmem:v35+s3+$0x0], $0xffff;
	v19 =	vor.u32 v36, v31  }
0x9f: {  	v13 =	vadd.f32 v12, v13;
	v10 =	vmovc v16;
	v31 =	vsel vm0, $0x1, v3;
	v20 =	vadd.f32 v34, v20;
	v30 =	vld.idx.msk [tilespmem:v40+s3+$0x0], $0xffff  }
0xa0: {  	v9 =	vmovc v18;
	v16 =	vor.u32 v31, v38;
	vm0 =	vge.f32 v6, v28;
	v12 =	vmov v27;
	v14 =	vld.idx.msk [tilespmem:v14+s3+$0x0], $0xffff  }
0xa1: {  	v28 =	vshll.u32 v16, $0x1;
	v18 =	vsel vm0, $0x1, v3;
	vm0 =	vge.f32 v7, v33;
	[tilespmem:s26+$0xFFFFFFC0] =	vst v20;
	v27 =	vld.idx.msk [tilespmem:v22+s3+$0x0], $0xffff  }
0xa2: {  	v18 =	vor.u32 v18, v41;
	v20 =	vsel vm0, $0x1, v3;
	vm0 =	vge.f32 v8, v39;
	v31 =	vld.idx.msk [tilespmem:v21+s3+$0x0], $0xffff;
	[tilespmem:s28+$0x20] =	vst v13;
	s28 =	smov.u32 s26  }
0xa3: {  	v13 =	vor.u32 v20, v42;
	v20 =	vsel vm0, $0x1, v3;
	vm0 =	vge.f32 v10, v24;
	v24 =	vld.idx.msk [tilespmem:v19+s3+$0x0], $0xffff  }
0xa4: {  	v33 =	vor.u32 v20, v43;
	v20 =	vsel vm0, $0x1, v3;
	vm0 =	vge.f32 v9, v17;
	v34 =	vld.idx.msk [tilespmem:v23+s3+$0x0], $0xffff  }
0xa5: {  	vm1 =	vge.f32 v11, v30;
	v30 =	vor.u32 v20, v46;
	v23 =	vld.idx.msk [tilespmem:v16+s3+$0x0], $0xffff;
	v16 =	vsel vm0, $0x1, v3  }
0xa6: {  	v22 =	vshll.u32 v18, $0x1;
	v17 =	vsel vm1, $0x1, v3;
	v35 =	vor.u32 v16, v47;
	v29 =	vld.idx.msk [tilespmem:v29+s3+$0x0], $0xffff  }
0xa7: {  	v21 =	vshll.u32 v13, $0x1;
	v36 =	vor.u32 v17, v44;
	v38 =	vld.idx.msk [tilespmem:v18+s3+$0x0], $0xffff;
	v18 =	vshll.u32 v33, $0x1  }
0xa8: {  	v17 =	vshll.u32 v30, $0x1;
	v20 =	vshll.u32 v36, $0x1;
	v16 =	vshll.u32 v35, $0x1;
	v39 =	vld.idx.msk [tilespmem:v13+s3+$0x0], $0xffff  }
0xa9: {  	v26 =	vadd.f32 v26, v27;
	vm0 =	vge.f32 v4, v24;
	v13 =	vadd.f32 v45, v14;
	v33 =	vld.idx.msk [tilespmem:v33+s3+$0x0], $0xffff  }
0xaa: {  	v14 =	vshll.u32 v19, $0x1;
	v19 =	vsel vm0, $0x1, v3;
	v24 =	vld.idx.msk [tilespmem:v30+s3+$0x0], $0xffff;
	v30 =	vadd.f32 v37, v31  }
.Ltmp0:
0xab: {  	v32 =	vadd.f32 v32, v34;
	vm0 =	vge.f32 v5, v23;
	v31 =	vor.u32 v19, v14;
	v23 =	vld.idx.msk [tilespmem:v35+s3+$0x0], $0xffff;
	(pc) =	sbr.rel @p0 .LBB2_3-.Ltmp0, $4  }
0xac: {  	v14 =	vsel vm0, $0x1, v3;
	v34 =	vand.u32 $0x5F, v31;
	v19 =	vadd.f32 v25, v29;
	v27 =	vld.idx.msk [tilespmem:v36+s3+$0x0], $0xffff;
	[tilespmem:s26+$0xFFFFFFD0] =	vst v13  }
0xad: {  	v14 =	vor.u32 v14, v28;
	vm0 =	vge.f32 v6, v38;
	v25 =	vor.u32 $0x20, v34;
	[tilespmem:s26+$0xFFFFFFE0] =	vst v26;
	v13 =	vld.idx.msk [tilespmem:v15+s3+$0x0], $0xffff  }
0xae: {  	v15 =	vand.u32 $0x5F, v14;
	v29 =	vsel vm0, $0x1, v3;
	vm0 =	vge.f32 v7, v39;
	[tilespmem:s26+$0xFFFFFFF0] =	vst v30  }
0xaf: {  	v26 =	vadd.s32 $0x10, v31;
	v28 =	vsel vm0, $0x1, v3;
	vm0 =	vge.f32 v8, v33;
	[tilespmem:s26+$0x0] =	vst v32  }
0xb0: {  	_ = 	snop  }
0xb1: {  	v22 =	vor.u32 v29, v22;
	v21 =	vor.u32 v28, v21;
	vm1 =	vge.f32 v11, v27  }
0xb2: {  	v15 =	vor.u32 $0x20, v15;
	v14 =	vadd.s32 $0x10, v14;
	v27 =	vsel vm1, $0x1, v3  }
0xb3: {  	v20 =	vor.u32 v27, v20;
	v27 =	vsel vm0, $0x1, v3;
	vm0 =	vge.f32 v10, v24  }
0xb4: {  	v24 =	vand.u32 $0x5F, v20;
	v28 =	vsel vm0, $0x1, v3;
	v20 =	vadd.s32 $0x10, v20  }
0xb5: {  	v25 =	vld.idx.msk [tilespmem:v25+s3+$0x0], $0xffff;
	vm0 =	vge.f32 v9, v23;
	v23 =	vand.u32 $0x5F, v22;
	v22 =	vadd.s32 $0x10, v22  }
0xb6: {  	v26 =	vld.idx.msk [tilespmem:v26+s3+$0x0], $0xffff;
	v24 =	vor.u32 $0x20, v24  }
0xb7: {  	v18 =	vor.u32 v27, v18;
	v27 =	vand.u32 $0x5F, v21;
	v21 =	vadd.s32 $0x10, v21;
	v15 =	vld.idx.msk [tilespmem:v15+s3+$0x0], $0xffff  }
0xb8: {  	v23 =	vor.u32 $0x20, v23;
	v14 =	vld.idx.msk [tilespmem:v14+s3+$0x0], $0xffff  }
0xb9: {  	v17 =	vor.u32 v28, v17;
	v27 =	vor.u32 $0x20, v27;
	v20 =	vld.idx.msk [tilespmem:v20+s3+$0x0], $0xffff  }
0xba: {  	v28 =	vand.u32 $0x5F, v18;
	v29 =	vsel vm0, $0x1, v3;
	v18 =	vadd.s32 $0x10, v18;
	v22 =	vld.idx.msk [tilespmem:v22+s3+$0x0], $0xffff  }
0xbb: {  	v30 =	vand.u32 $0x5F, v17;
	v28 =	vor.u32 $0x20, v28;
	v16 =	vor.u32 v29, v16;
	v24 =	vld.idx.msk [tilespmem:v24+s3+$0x0], $0xffff  }
0xbc: {  	v29 =	vor.u32 $0x20, v30;
	v30 =	vand.u32 $0x5F, v16;
	v21 =	vld.idx.msk [tilespmem:v21+s3+$0x0], $0xffff  }
0xbd: {  	v30 =	vor.u32 $0x20, v30;
	v23 =	vld.idx.msk [tilespmem:v23+s3+$0x0], $0xffff  }
0xbe: {  	v4 =	vmul.f32 v25, v4;
	v17 =	vadd.s32 $0x10, v17;
	v27 =	vld.idx.msk [tilespmem:v27+s3+$0x0], $0xffff  }
0xbf: {  	v16 =	vadd.s32 $0x10, v16;
	v5 =	vmul.f32 v15, v5;
	v15 =	vld.idx.msk [tilespmem:v18+s3+$0x0], $0xffff  }
0xc0: {  	v4 =	vadd.f32 v4, v26;
	v28 =	vld.idx.msk [tilespmem:v28+s3+$0x0], $0xffff;
	v11 =	vmul.f32 v24, v11  }
0xc1: {  	[tilespmem:s26+$0x10] =	vst v19;
	s25 =	sadd.s32 $0x80, s26;
	v29 =	vld.idx.msk [tilespmem:v29+s3+$0x0], $0xffff  }
0xc2: {  	[tilespmem:s25+$0x30] =	vst v4;
	v30 =	vld.idx.msk [tilespmem:v30+s3+$0x0], $0xffff;
	v11 =	vadd.f32 v11, v20  }
0xc3: {  	v5 =	vadd.f32 v5, v14;
	v4 =	vmul.f32 v23, v6;
	v6 =	vadd.f32 v12, v13;
	v12 =	vld.idx.msk [tilespmem:v17+s3+$0x0], $0xffff  }
0xc4: {  	v7 =	vmul.f32 v27, v7;
	[tilespmem:s25+$0xFFFFFFC0] =	vst v11;
	v11 =	vld.idx.msk [tilespmem:v16+s3+$0x0], $0xffff  }
0xc5: {  	[tilespmem:s25+$0xFFFFFFD0] =	vst v5;
	v8 =	vmul.f32 v28, v8;
	v4 =	vadd.f32 v4, v22  }
0xc6: {  	[tilespmem:s28+$0x20] =	vst v6;
	v6 =	vmul.f32 v29, v10;
	v7 =	vadd.f32 v7, v21  }
0xc7: {  	v5 =	vmul.f32 v30, v9;
	v8 =	vadd.f32 v8, v15;
	[tilespmem:s25+$0xFFFFFFE0] =	vst v4  }
0xc8: {  	p0 =	seq.s32 s23, $0x5;
	[tilespmem:s25+$0xFFFFFFF0] =	vst v7;
	v4 =	vadd.f32 v6, v12  }
0xc9: {  	s26 =	sadd.s32 @!p0 s24, s9;
	[tilespmem:s25+$0x0] =	vst v8;
	v5 =	vadd.f32 v5, v11  }
0xca: {  	s30 =	sadd.s32 s4, s24;
	s26 =	sshrl.u32 @!p0 s26, $0x3;
	[tilespmem:s25+$0x10] =	vst v4  }
0xcb: {  	s28 =	simm.s32 @!p0 $0x80;
	[tilespmem:s25+$0x20] =	vst v5;
	s25 =	sadd.s32 @!p0 s2, s26;
	s26 =	simm.s32 @!p0 $0x0  }
0xcc: {  	[tilespmem:s28], [sflag:$0x1] =	stream.linear.gather @!p0 [hbm4b:s25+s26], $0x4000, $0x38;
	[tilespmem:$0x10080] =	vst v63  }
0xcd: {  	s25 =	sshrl.u32 s30, $0x3  }
0xce: {  	s25 =	sadd.s32 s6, s25  }
0xcf: {  	[hbm4b:s25+s3] =	stream.linear.scatter [tilespmem:s17], [sflag:$0x3], $0x4000, $0x38;
	[tilespmem:$0x10080] =	vst v63  }
0xd0: {  	_ =	swait.ge [sflag:s18], $0x4000  }
0xd1: {  	[sflag:s18] =	ssyncset.done $0x0  }
0xd2: {  	s25 =	simm.s32 @!p1 $0x4;
	[sflag:s18] =	ssyncadd.s32 $0xFFFFC000  }
0xd3: {  	_ =	swait.ge @!p1 [sflag:s25], $0x4000  }
0xd4: {  	[sflag:s25] =	ssyncset.done @!p1 $0x0  }
0xd5: {  	[sflag:s25] =	ssyncadd.s32 @!p1 $0xFFFFC000  }
0xd6: {  	s31 =	simm.s32 $0x40C0;
	v4 =	vld.idx.msk [tilespmem:v0+s3+$0x0], $0xffff  }
0xd7: {  	v9 =	vld [tilespmem:s31+$0x30]  }
0xd8: {  	v17 =	vld [tilespmem:s31+$0xFFFFFFD0]  }
0xd9: {  	v16 =	vld [tilespmem:s31+$0xFFFFFFE0];
	_ =	sdelay $0x1  }
0xda: {  	v13 =	vld [tilespmem:s31+$0xFFFFFFF0]  }
0xdb: {  	v15 =	vld [tilespmem:s31+$0x0];
	vm1 =	vge.f32 v9, v4  }
0xdc: {  	v14 =	vld [tilespmem:s31+$0x10];
	vm2 =	vge.f32 v17, v4;
	v5 =	vsel vm1, $0x3, v1  }
0xdd: {  	v18 =	vld [tilespmem:s31+$0xFFFFFFC0];
	vm3 =	vge.f32 v16, v4;
	v6 =	vsel vm2, $0x3, v1  }
0xde: {  	v12 =	vld [tilespmem:s31+$0x20];
	v7 =	vsel vm3, $0x3, v1  }
0xdf: {  	vm4 =	vge.f32 v13, v4  }
0xe0: {  	vm5 =	vge.f32 v15, v4;
	v8 =	vsel vm4, $0x3, v1  }
0xe1: {  	vm6 =	vge.f32 v14, v4;
	v10 =	vsel vm5, $0x3, v1;
	v5 =	vld.idx.msk [tilespmem:v5+s3+$0x0], $0xffff  }
0xe2: {  	vm0 =	vge.f32 v18, v4;
	v11 =	vsel vm6, $0x3, v1;
	v6 =	vld.idx.msk [tilespmem:v6+s3+$0x0], $0xffff  }
0xe3: {  	vm7 =	vge.f32 v12, v4;
	v19 =	vsel vm0, $0x3, v1;
	v7 =	vld.idx.msk [tilespmem:v7+s3+$0x0], $0xffff  }
0xe4: {  	v4 =	vsel vm7, $0x3, v1  }
0xe5: {  	v8 =	vld.idx.msk [tilespmem:v8+s3+$0x0], $0xffff  }
0xe6: {  	v20 =	vsel vm1, $0x6, v2;
	v22 =	vsel vm3, $0x6, v2;
	v24 =	vsel vm6, $0x6, v2;
	v10 =	vld.idx.msk [tilespmem:v10+s3+$0x0], $0xffff  }
0xe7: {  	v11 =	vld.idx.msk [tilespmem:v11+s3+$0x0], $0xffff;
	vm8 =	vge.f32 v9, v5;
	v5 =	vsel vm2, $0x6, v2;
	vm1 =	vge.f32 v17, v6  }
0xe8: {  	v19 =	vld.idx.msk [tilespmem:v19+s3+$0x0], $0xffff;
	v21 =	vsel vm8, $0x1, v3;
	v23 =	vsel vm1, $0x1, v3;
	vm1 =	vge.f32 v16, v7  }
0xe9: {  	v4 =	vld.idx.msk [tilespmem:v4+s3+$0x0], $0xffff;
	v6 =	vor.u32 v21, v20;
	v20 =	vsel vm4, $0x6, v2;
	v21 =	vsel vm5, $0x6, v2  }
0xea: {  	v5 =	vor.u32 v23, v5;
	v23 =	vsel vm1, $0x1, v3;
	vm1 =	vge.f32 v13, v8  }
0xeb: {  	v8 =	vor.u32 v23, v22;
	v22 =	vsel vm1, $0x1, v3;
	vm1 =	vge.f32 v15, v10  }
0xec: {  	v10 =	vor.u32 v22, v20;
	v20 =	vsel vm1, $0x1, v3;
	vm1 =	vge.f32 v14, v11  }
0xed: {  	vm2 =	vge.f32 v18, v19;
	v20 =	vor.u32 v20, v21;
	v21 =	vsel vm1, $0x1, v3  }
0xee: {  	v7 =	vsel vm7, $0x6, v2;
	vm1 =	vge.f32 v12, v4;
	v19 =	vor.u32 v21, v24;
	v11 =	vld.idx.msk [tilespmem:v6+s3+$0x0], $0xffff  }
0xef: {  	v23 =	vsel vm2, $0x1, v3;
	v22 =	vsel vm0, $0x6, v2;
	v21 =	vsel vm1, $0x1, v3  }
0xf0: {  	v4 =	vld.idx.msk [tilespmem:v5+s3+$0x0], $0xffff;
	v7 =	vor.u32 v21, v7;
	v21 =	vor.u32 v23, v22  }
0xf1: {  	v22 =	vld.idx.msk [tilespmem:v8+s3+$0x0], $0xffff  }
0xf2: {  	v23 =	vld.idx.msk [tilespmem:v10+s3+$0x0], $0xffff  }
0xf3: {  	v5 =	vshll.u32 v5, $0x1;
	v6 =	vshll.u32 v6, $0x1;
	v25 =	vld.idx.msk [tilespmem:v19+s3+$0x0], $0xffff;
	vm0 =	vge.f32 v9, v11  }
0xf4: {  	v8 =	vshll.u32 v8, $0x1;
	v19 =	vshll.u32 v19, $0x1;
	v11 =	vld.idx.msk [tilespmem:v20+s3+$0x0], $0xffff;
	v24 =	vsel vm0, $0x1, v3  }
0xf5: {  	v26 =	vld.idx.msk [tilespmem:v21+s3+$0x0], $0xffff;
	vm0 =	vge.f32 v17, v4;
	v4 =	vor.u32 v24, v6;
	v6 =	vshll.u32 v10, $0x1  }
0xf6: {  	v10 =	vshll.u32 v20, $0x1;
	v20 =	vld.idx.msk [tilespmem:v7+s3+$0x0], $0xffff;
	v24 =	vsel vm0, $0x1, v3;
	vm0 =	vge.f32 v16, v22  }
0xf7: {  	v5 =	vor.u32 v24, v5;
	v22 =	vsel vm0, $0x1, v3;
	vm0 =	vge.f32 v13, v23  }
0xf8: {  	v21 =	vshll.u32 v21, $0x1;
	v8 =	vor.u32 v22, v8;
	v22 =	vsel vm0, $0x1, v3  }
0xf9: {  	v7 =	vshll.u32 v7, $0x1;
	vm0 =	vge.f32 v15, v11;
	v6 =	vor.u32 v22, v6  }
0xfa: {  	vm1 =	vge.f32 v18, v26;
	v11 =	vsel vm0, $0x1, v3;
	vm0 =	vge.f32 v14, v25  }
0xfb: {  	v22 =	vld.idx.msk [tilespmem:v4+s3+$0x0], $0xffff;
	v10 =	vor.u32 v11, v10;
	v11 =	vsel vm0, $0x1, v3;
	vm0 =	vge.f32 v12, v20  }
0xfc: {  	v23 =	vsel vm1, $0x1, v3;
	v20 =	vld.idx.msk [tilespmem:v5+s3+$0x0], $0xffff;
	v11 =	vor.u32 v11, v19;
	v19 =	vsel vm0, $0x1, v3  }
0xfd: {  	v7 =	vor.u32 v19, v7;
	v19 =	vor.u32 v23, v21;
	v21 =	vld.idx.msk [tilespmem:v8+s3+$0x0], $0xffff  }
0xfe: {  	v23 =	vld.idx.msk [tilespmem:v6+s3+$0x0], $0xffff;
	_ =	sdelay $0x1  }
0xff: {  	v4 =	vshll.u32 v4, $0x1;
	v5 =	vshll.u32 v5, $0x1;
	vm0 =	vge.f32 v9, v22  }
0x100: {  	v8 =	vshll.u32 v8, $0x1;
	v22 =	vld.idx.msk [tilespmem:v10+s3+$0x0], $0xffff;
	v24 =	vsel vm0, $0x1, v3;
	vm0 =	vge.f32 v17, v20  }
0x101: {  	v25 =	vld.idx.msk [tilespmem:v11+s3+$0x0], $0xffff;
	v4 =	vor.u32 v24, v4;
	v26 =	vsel vm0, $0x1, v3;
	vm0 =	vge.f32 v16, v21  }
0x102: {  	v28 =	vsel vm0, $0x1, v3;
	vm0 =	vge.f32 v13, v23;
	v23 =	vadd.s32 $0x10, v4  }
0x103: {  	v6 =	vshll.u32 v6, $0x1;
	v20 =	vshll.u32 v19, $0x1;
	v24 =	vld.idx.msk [tilespmem:v7+s3+$0x0], $0xffff;
	v27 =	vand.u32 $0x5F, v4  }
0x104: {  	s25 =	simm.s32 $0x4140;
	v11 =	vshll.u32 v11, $0x1;
	v19 =	vld.idx.msk [tilespmem:v19+s3+$0x0], $0xffff;
	v26 =	vor.u32 v26, v5;
	v5 =	vor.u32 $0x20, v27  }
0x105: {  	v4 =	vld [tilespmem:s25+$0x30];
	v21 =	vand.u32 $0x5F, v26;
	v29 =	vsel vm0, $0x1, v3;
	vm0 =	vge.f32 v15, v22  }
0x106: {  	v27 =	vld.idx.msk [tilespmem:v0+s3+$0x0], $0xffff;
	v22 =	vor.u32 v28, v8;
	v8 =	vsel vm0, $0x1, v3;
	vm0 =	vge.f32 v14, v25  }
0x107: {  	v26 =	vadd.s32 $0x10, v26;
	v25 =	vor.u32 v29, v6;
	v6 =	vsel vm0, $0x1, v3;
	v23 =	vld.idx.msk [tilespmem:v23+s3+$0x0], $0xffff  }
0x108: {  	v10 =	vshll.u32 v10, $0x1;
	v7 =	vshll.u32 v7, $0x1;
	v28 =	vor.u32 v6, v11;
	v6 =	vld [tilespmem:s25+$0xFFFFFFE0]  }
0x109: {  	v21 =	vor.u32 $0x20, v21;
	vm0 =	vge.f32 v12, v24;
	vm1 =	vge.f32 v18, v19;
	v19 =	vld.idx.msk [tilespmem:v5+s3+$0x0], $0xffff  }
0x10a: {  	v24 =	vor.u32 v8, v10;
	v30 =	vand.u32 $0x5F, v25;
	v8 =	vsel vm0, $0x1, v3;
	v5 =	vld [tilespmem:s25+$0xFFFFFFD0]  }
0x10b: {  	v10 =	vsel vm1, $0x1, v3;
	v29 =	vor.u32 v8, v7;
	vm0 =	vge.f32 v4, v27;
	v7 =	vld [tilespmem:s25+$0xFFFFFFF0]  }
0x10c: {  	v20 =	vor.u32 v10, v20;
	v10 =	vand.u32 $0x5F, v22;
	v26 =	vld.idx.msk [tilespmem:v26+s3+$0x0], $0xffff;
	v11 =	vsel vm0, $0x3, v1  }
0x10d: {  	v25 =	vadd.s32 $0x10, v25;
	v31 =	vand.u32 $0x5F, v24;
	v35 =	vor.u32 $0x20, v10;
	v10 =	vld [tilespmem:s25+$0x10]  }
0x10e: {  	v30 =	vor.u32 $0x20, v30;
	v32 =	vand.u32 $0x5F, v28;
	v8 =	vand.u32 $0x5F, v20;
	v21 =	vld.idx.msk [tilespmem:v21+s3+$0x0], $0xffff  }
0x10f: {  	v24 =	vadd.s32 $0x10, v24;
	v32 =	vor.u32 $0x20, v32;
	v33 =	vor.u32 $0x20, v8;
	v8 =	vld [tilespmem:s25+$0x0]  }
0x110: {  	v31 =	vor.u32 $0x20, v31;
	v22 =	vadd.s32 $0x10, v22;
	v19 =	vmul.f32 v19, v9;
	v9 =	vld [tilespmem:s25+$0x20]  }
0x111: {  	v28 =	vadd.s32 $0x10, v28;
	v20 =	vadd.s32 $0x10, v20;
	vm1 =	vge.f32 v5, v27;
	v38 =	vld.idx.msk [tilespmem:v11+s3+$0x0], $0xffff  }
0x112: {  	v36 =	vsel vm1, $0x3, v1;
	v37 =	vsel vm1, $0x6, v2;
	vm1 =	vge.f32 v6, v27;
	v11 =	vld [tilespmem:s25+$0xFFFFFFC0]  }
0x113: {  	vm2 =	vge.f32 v7, v27;
	v35 =	vld.idx.msk [tilespmem:v35+s3+$0x0], $0xffff;
	v19 =	vadd.f32 v19, v23;
	v23 =	vsel vm1, $0x3, v1  }
0x114: {  	v40 =	vsel vm2, $0x3, v1;
	v32 =	vld.idx.msk [tilespmem:v32+s3+$0x0], $0xffff;
	v39 =	vsel vm1, $0x6, v2;
	vm1 =	vge.f32 v8, v27  }
0x115: {  	v41 =	vsel vm2, $0x6, v2;
	vm2 =	vge.f32 v10, v27;
	v33 =	vld.idx.msk [tilespmem:v33+s3+$0x0], $0xffff;
	v42 =	vsel vm1, $0x3, v1  }
0x116: {  	v34 =	vand.u32 $0x5F, v29;
	v45 =	vsel vm0, $0x6, v2;
	v20 =	vld.idx.msk [tilespmem:v20+s3+$0x0], $0xffff;
	v44 =	vsel vm2, $0x3, v1  }
0x117: {  	v43 =	vsel vm1, $0x6, v2;
	vm1 =	vge.f32 v9, v27;
	v36 =	vld.idx.msk [tilespmem:v36+s3+$0x0], $0xffff;
	vm0 =	vge.f32 v4, v38  }
0x118: {  	v38 =	vsel vm0, $0x1, v3;
	vm0 =	vge.f32 v11, v27;
	v27 =	vsel vm1, $0x3, v1;
	v23 =	vld.idx.msk [tilespmem:v23+s3+$0x0], $0xffff  }
0x119: {  	v34 =	vor.u32 $0x20, v34;
	v46 =	vsel vm2, $0x6, v2;
	v40 =	vld.idx.msk [tilespmem:v40+s3+$0x0], $0xffff;
	v59 =	vsel vm0, $0x3, v1  }
0x11a: {  	v47 =	vsel vm1, $0x6, v2;
	v18 =	vmul.f32 v33, v18;
	v33 =	vmul.f32 v21, v17;
	v42 =	vld.idx.msk [tilespmem:v42+s3+$0x0], $0xffff  }
0x11b: {  	v25 =	vld.idx.msk [tilespmem:v25+s3+$0x0], $0xffff;
	v14 =	vmul.f32 v32, v14;
	v38 =	vor.u32 v38, v45;
	v48 =	vsel vm0, $0x6, v2  }
0x11c: {  	v44 =	vld.idx.msk [tilespmem:v44+s3+$0x0], $0xffff;
	v57 =	vadd.f32 v18, v20;
	v26 =	vadd.f32 v33, v26;
	vm0 =	vge.f32 v5, v36  }
0x11d: {  	v36 =	vadd.s32 $0x10, v29;
	v27 =	vld.idx.msk [tilespmem:v27+s3+$0x0], $0xffff;
	v29 =	vsel vm0, $0x1, v3;
	vm0 =	vge.f32 v6, v23  }
0x11e: {  	v23 =	vmul.f32 v35, v16;
	v45 =	vld.idx.msk [tilespmem:v59+s3+$0x0], $0xffff;
	v17 =	vor.u32 v29, v37;
	v29 =	vsel vm0, $0x1, v3  }
0x11f: {  	v16 =	vld.idx.msk [tilespmem:v30+s3+$0x0], $0xffff;
	vm0 =	vge.f32 v7, v40;
	vm1 =	vge.f32 v8, v42;
	v21 =	vshll.u32 v17, $0x1  }
0x120: {  	v30 =	vld.idx.msk [tilespmem:v31+s3+$0x0], $0xffff;
	v29 =	vor.u32 v29, v39;
	v31 =	vsel vm0, $0x1, v3;
	v60 =	vsel vm1, $0x1, v3  }
0x121: {  	v61 =	vld.idx.msk [tilespmem:v38+s3+$0x0], $0xffff;
	vm0 =	vge.f32 v10, v44;
	v31 =	vor.u32 v31, v41;
	v35 =	vor.u32 v60, v43  }
0x122: {  	v24 =	vld.idx.msk [tilespmem:v24+s3+$0x0], $0xffff;
	v62 =	vsel vm0, $0x1, v3;
	v50 =	vshll.u32 v29, $0x1;
	vm0 =	vge.f32 v9, v27  }
0x123: {  	v63 =	vor.u32 v62, v46;
	v27 =	vld.idx.msk [tilespmem:v34+s3+$0x0], $0xffff;
	vm1 =	vge.f32 v11, v45;
	v46 =	vsel vm0, $0x1, v3  }
0x124: {  	v51 =	vshll.u32 v31, $0x1;
	v17 =	vld.idx.msk [tilespmem:v17+s3+$0x0], $0xffff;
	v49 =	vsel vm1, $0x1, v3;
	v39 =	vor.u32 v46, v47  }
0x125: {  	v43 =	vshll.u32 v35, $0x1;
	v13 =	vmul.f32 v16, v13;
	v29 =	vld.idx.msk [tilespmem:v29+s3+$0x0], $0xffff;
	v40 =	vor.u32 v49, v48  }
0x126: {  	v53 =	vshll.u32 v63, $0x1;
	v15 =	vmul.f32 v30, v15;
	vm0 =	vge.f32 v4, v61;
	v31 =	vld.idx.msk [tilespmem:v31+s3+$0x0], $0xffff  }
0x127: {  	v16 =	vshll.u32 v38, $0x1;
	v55 =	vsel vm0, $0x1, v3;
	v13 =	vadd.f32 v13, v25;
	v35 =	vld.idx.msk [tilespmem:v35+s3+$0x0], $0xffff  }
0x128: {  	s26 =	simm.s32 $0xC0C0;
	v54 =	vshll.u32 v39, $0x1;
	v56 =	vor.u32 v55, v16;
	v52 =	vshll.u32 v40, $0x1;
	v30 =	vld.idx.msk [tilespmem:v63+s3+$0x0], $0xffff  }
0x129: {  	[tilespmem:s26+$0x30] =	vst v19;
	v19 =	vshll.u32 v56, $0x1;
	v63 =	vadd.f32 v15, v24;
	vm0 =	vge.f32 v5, v17;
	v17 =	vld.idx.msk [tilespmem:v39+s3+$0x0], $0xffff  }
0x12a: {  	v12 =	vmul.f32 v27, v12;
	v16 =	vsel vm0, $0x1, v3;
	vm0 =	vge.f32 v6, v29;
	v27 =	vld.idx.msk [tilespmem:v40+s3+$0x0], $0xffff  }
0x12b: {  	v16 =	vor.u32 v16, v21;
	v18 =	vsel vm0, $0x1, v3;
	vm0 =	vge.f32 v7, v31  }
0x12c: {  	v20 =	vor.u32 v18, v50;
	v18 =	vsel vm0, $0x1, v3;
	vm0 =	vge.f32 v8, v35  }
0x12d: {  	v58 =	vor.u32 v18, v51;
	v18 =	vsel vm0, $0x1, v3;
	vm0 =	vge.f32 v10, v30;
	v30 =	vld.idx.msk [tilespmem:v56+s3+$0x0], $0xffff  }
0x12e: {  	v31 =	vld.idx.msk [tilespmem:v22+s3+$0x0], $0xffff;
	v59 =	vor.u32 v18, v43;
	v18 =	vsel vm0, $0x1, v3;
	vm0 =	vge.f32 v9, v17  }
0x12f: {  	v28 =	vld.idx.msk [tilespmem:v28+s3+$0x0], $0xffff;
	vm1 =	vge.f32 v11, v27;
	v27 =	vor.u32 v18, v53;
	v17 =	vsel vm0, $0x1, v3  }
0x130: {  	v29 =	vshll.u32 v16, $0x1;
	v60 =	vld.idx.msk [tilespmem:v16+s3+$0x0], $0xffff;
	v16 =	vsel vm1, $0x1, v3;
	v61 =	vor.u32 v17, v54  }
0x131: {  	v22 =	vshll.u32 v20, $0x1;
	v21 =	vshll.u32 v58, $0x1;
	v41 =	vld.idx.msk [tilespmem:v20+s3+$0x0], $0xffff;
	v62 =	vor.u32 v16, v52  }
0x132: {  	v18 =	vshll.u32 v59, $0x1;
	v17 =	vshll.u32 v27, $0x1;
	v35 =	vld.idx.msk [tilespmem:v58+s3+$0x0], $0xffff;
	vm0 =	vge.f32 v4, v30  }
0x133: {  	v16 =	vshll.u32 v61, $0x1;
	v30 =	vadd.f32 v23, v31;
	v31 =	vld.idx.msk [tilespmem:v59+s3+$0x0], $0xffff;
	v23 =	vsel vm0, $0x1, v3  }
0x134: {  	[tilespmem:s26+$0xFFFFFFC0] =	vst v57;
	v20 =	vshll.u32 v62, $0x1;
	v32 =	vor.u32 v23, v19;
	v19 =	vadd.f32 v14, v28;
	v24 =	vld.idx.msk [tilespmem:v27+s3+$0x0], $0xffff  }
0x135: {  	[tilespmem:s26+$0xFFFFFFD0] =	vst v26;
	vm0 =	vge.f32 v5, v60;
	v25 =	vand.u32 $0x5F, v32;
	v26 =	vadd.s32 $0x10, v32;
	v23 =	vld.idx.msk [tilespmem:v61+s3+$0x0], $0xffff  }
0x136: {  	[tilespmem:s26+$0xFFFFFFF0] =	vst v13;
	v15 =	vsel vm0, $0x1, v3;
	vm0 =	vge.f32 v6, v41;
	v25 =	vor.u32 $0x20, v25;
	v27 =	vld.idx.msk [tilespmem:v62+s3+$0x0], $0xffff  }
0x137: {  	[tilespmem:s26+$0x0] =	vst v63;
	v14 =	vor.u32 v15, v29;
	v29 =	vsel vm0, $0x1, v3;
	vm0 =	vge.f32 v7, v35  }
0x138: {  	s29 =	simm.s32 $0x80;
	s28 =	simm.s32 $0xC0C0;
	v13 =	vld.idx.msk [tilespmem:v36+s3+$0x0], $0xffff;
	[tilespmem:s26+$0xFFFFFFE0] =	vst v30;
	v15 =	vand.u32 $0x5F, v14;
	v28 =	vsel vm0, $0x1, v3;
	vm0 =	vge.f32 v8, v31  }
.LBB2_5:
0x139: {  	v30 =	vld.idx.msk [tilespmem:v0+s3+$0x0], $0xffff;
	s29 =	sadd.s32 $0x80, s29;
	v22 =	vor.u32 v29, v22;
	v29 =	vsel vm0, $0x1, v3;
	vm0 =	vge.f32 v10, v24;
	s25 =	sadd.s32 $0x80, s25;
	[tilespmem:s26+$0x10] =	vst v19  }
0x13a: {  	v21 =	vor.u32 v28, v21;
	v24 =	vld [tilespmem:s25+$0x30];
	p1 =	slt.u32 s29, $0x3F80;
	v19 =	vsel vm0, $0x1, v3;
	vm0 =	vge.f32 v9, v23  }
0x13b: {  	vm1 =	vge.f32 v11, v27;
	v23 =	vor.u32 v29, v18;
	v18 =	vsel vm0, $0x1, v3;
	v25 =	vld.idx.msk [tilespmem:v25+s3+$0x0], $0xffff  }
0x13c: {  	v28 =	vsel vm1, $0x1, v3;
	v29 =	vor.u32 v19, v17;
	v27 =	vld [tilespmem:s25+$0xFFFFFFD0];
	v31 =	vor.u32 v18, v16  }
0x13d: {  	v20 =	vor.u32 v28, v20;
	v16 =	vand.u32 $0x5F, v22;
	v18 =	vand.u32 $0x5F, v21;
	v26 =	vld.idx.msk [tilespmem:v26+s3+$0x0], $0xffff  }
0x13e: {  	v32 =	vand.u32 $0x5F, v23;
	v33 =	vand.u32 $0x5F, v29;
	v19 =	vand.u32 $0x5F, v20;
	v28 =	vld [tilespmem:s25+$0xFFFFFFE0]  }
0x13f: {  	v35 =	vand.u32 $0x5F, v31;
	v34 =	vor.u32 $0x20, v19;
	v17 =	vld [tilespmem:s25+$0xFFFFFFF0];
	vm0 =	vge.f32 v24, v30  }
0x140: {  	v15 =	vor.u32 $0x20, v15;
	v37 =	vor.u32 $0x20, v16;
	v19 =	vld [tilespmem:s25+$0x0];
	v36 =	vsel vm0, $0x3, v1  }
0x141: {  	v38 =	vor.u32 $0x20, v18;
	v25 =	vmul.f32 v25, v4;
	v4 =	vmovc v24;
	vm1 =	vge.f32 v27, v30;
	v16 =	vld [tilespmem:s25+$0x10]  }
0x142: {  	v32 =	vor.u32 $0x20, v32;
	v24 =	vsel vm1, $0x3, v1;
	v39 =	vsel vm1, $0x6, v2;
	v18 =	vld [tilespmem:s25+$0x20]  }
0x143: {  	v33 =	vor.u32 $0x20, v33;
	v25 =	vadd.f32 v25, v26;
	v40 =	vld [tilespmem:s25+$0xFFFFFFC0];
	vm1 =	vge.f32 v28, v30  }
0x144: {  	s26 =	sadd.s32 $0x80, s26;
	v26 =	vsel vm1, $0x3, v1;
	v41 =	vsel vm1, $0x6, v2;
	vm1 =	vge.f32 v17, v30;
	v34 =	vld.idx.msk [tilespmem:v34+s3+$0x0], $0xffff  }
0x145: {  	v42 =	vsel vm1, $0x3, v1;
	v43 =	vsel vm1, $0x6, v2;
	vm1 =	vge.f32 v19, v30;
	v36 =	vld.idx.msk [tilespmem:v36+s3+$0x0], $0xffff;
	[tilespmem:s26+$0x30] =	vst v25  }
0x146: {  	v25 =	vsel vm1, $0x3, v1;
	v44 =	vsel vm1, $0x6, v2;
	vm1 =	vge.f32 v16, v30;
	v45 =	vld.idx.msk [tilespmem:v15+s3+$0x0], $0xffff  }
0x147: {  	v15 =	vld.idx.msk [tilespmem:v24+s3+$0x0], $0xffff;
	v24 =	vsel vm1, $0x3, v1;
	v46 =	vsel vm1, $0x6, v2;
	vm1 =	vge.f32 v18, v30  }
0x148: {  	vm2 =	vge.f32 v40, v30;
	v30 =	vsel vm1, $0x3, v1;
	v47 =	vsel vm1, $0x6, v2;
	v37 =	vld.idx.msk [tilespmem:v37+s3+$0x0], $0xffff  }
0x149: {  	v35 =	vor.u32 $0x20, v35;
	v48 =	vsel vm2, $0x3, v1;
	v49 =	vsel vm2, $0x6, v2;
	v26 =	vld.idx.msk [tilespmem:v26+s3+$0x0], $0xffff  }
0x14a: {  	v14 =	vadd.s32 $0x10, v14;
	v22 =	vadd.s32 $0x10, v22;
	v20 =	vadd.s32 $0x10, v20;
	v42 =	vld.idx.msk [tilespmem:v42+s3+$0x0], $0xffff  }
0x14b: {  	v23 =	vadd.s32 $0x10, v23;
	v21 =	vadd.s32 $0x10, v21;
	vm1 =	vge.f32 v4, v36;
	v25 =	vld.idx.msk [tilespmem:v25+s3+$0x0], $0xffff  }
0x14c: {  	v29 =	vadd.s32 $0x10, v29;
	v36 =	vsel vm0, $0x6, v2;
	v50 =	vsel vm1, $0x1, v3;
	v24 =	vld.idx.msk [tilespmem:v24+s3+$0x0], $0xffff  }
0x14d: {  	vm0 =	vge.f32 v27, v15;
	v36 =	vor.u32 v50, v36;
	v15 =	vadd.s32 $0x10, v31;
	v30 =	vld.idx.msk [tilespmem:v30+s3+$0x0], $0xffff  }
0x14e: {  	v34 =	vmul.f32 v34, v11;
	v45 =	vmul.f32 v45, v5;
	v5 =	vmovc v27;
	v31 =	vld.idx.msk [tilespmem:v48+s3+$0x0], $0xffff;
	v48 =	vsel vm0, $0x1, v3  }
0x14f: {  	vm0 =	vge.f32 v28, v26;
	v26 =	vmul.f32 v37, v6;
	v27 =	vor.u32 v48, v39;
	v37 =	vld.idx.msk [tilespmem:v38+s3+$0x0], $0xffff  }
0x150: {  	v11 =	vmovc v40;
	v6 =	vmovc v28;
	v39 =	vsel vm0, $0x1, v3;
	vm0 =	vge.f32 v17, v42;
	v38 =	vshll.u32 v27, $0x1;
	v32 =	vld.idx.msk [tilespmem:v32+s3+$0x0], $0xffff  }
0x151: {  	v28 =	vor.u32 v39, v41;
	v39 =	vsel vm0, $0x1, v3;
	vm0 =	vge.f32 v19, v25;
	v25 =	vld.idx.msk [tilespmem:v33+s3+$0x0], $0xffff  }
0x152: {  	v33 =	vor.u32 v39, v43;
	v39 =	vsel vm0, $0x1, v3;
	vm0 =	vge.f32 v16, v24;
	v24 =	vld.idx.msk [tilespmem:v36+s3+$0x0], $0xffff  }
0x153: {  	v39 =	vor.u32 v39, v44;
	v40 =	vsel vm0, $0x1, v3;
	vm0 =	vge.f32 v18, v30;
	v30 =	vld.idx.msk [tilespmem:v35+s3+$0x0], $0xffff  }
0x154: {  	vm1 =	vge.f32 v11, v31;
	v31 =	vor.u32 v40, v46;
	v35 =	vsel vm0, $0x1, v3;
	v27 =	vld.idx.msk [tilespmem:v27+s3+$0x0], $0xffff  }
0x155: {  	v41 =	vshll.u32 v28, $0x1;
	v40 =	vsel vm1, $0x1, v3;
	v35 =	vor.u32 v35, v47;
	v20 =	vld.idx.msk [tilespmem:v20+s3+$0x0], $0xffff  }
0x156: {  	v42 =	vshll.u32 v33, $0x1;
	v43 =	vshll.u32 v39, $0x1;
	v40 =	vor.u32 v40, v49;
	v28 =	vld.idx.msk [tilespmem:v28+s3+$0x0], $0xffff  }
0x157: {  	v46 =	vshll.u32 v31, $0x1;
	v47 =	vshll.u32 v35, $0x1;
	v44 =	vshll.u32 v40, $0x1;
	v33 =	vld.idx.msk [tilespmem:v33+s3+$0x0], $0xffff  }
0x158: {  	v37 =	vmul.f32 v37, v7;
	v32 =	vmul.f32 v32, v8;
	vm0 =	vge.f32 v4, v24;
	v39 =	vld.idx.msk [tilespmem:v39+s3+$0x0], $0xffff  }
0x159: {  	v7 =	vmovc v17;
	v8 =	vmovc v19;
	v25 =	vmul.f32 v25, v10;
	v24 =	vld.idx.msk [tilespmem:v31+s3+$0x0], $0xffff;
	v31 =	vshll.u32 v36, $0x1;
	v36 =	vsel vm0, $0x1, v3  }
0x15a: {  	vm0 =	vge.f32 v5, v27;
	v27 =	vmul.f32 v30, v9;
	v17 =	vld.idx.msk [tilespmem:v35+s3+$0x0], $0xffff;
	v19 =	vor.u32 v36, v31  }
0x15b: {  	v13 =	vadd.f32 v12, v13;
	v10 =	vmovc v16;
	v31 =	vsel vm0, $0x1, v3;
	v20 =	vadd.f32 v34, v20;
	v30 =	vld.idx.msk [tilespmem:v40+s3+$0x0], $0xffff  }
0x15c: {  	v9 =	vmovc v18;
	v16 =	vor.u32 v31, v38;
	vm0 =	vge.f32 v6, v28;
	v12 =	vmov v27;
	v14 =	vld.idx.msk [tilespmem:v14+s3+$0x0], $0xffff  }
0x15d: {  	v28 =	vshll.u32 v16, $0x1;
	v18 =	vsel vm0, $0x1, v3;
	vm0 =	vge.f32 v7, v33;
	[tilespmem:s26+$0xFFFFFFC0] =	vst v20;
	v27 =	vld.idx.msk [tilespmem:v22+s3+$0x0], $0xffff  }
0x15e: {  	v18 =	vor.u32 v18, v41;
	v20 =	vsel vm0, $0x1, v3;
	vm0 =	vge.f32 v8, v39;
	v31 =	vld.idx.msk [tilespmem:v21+s3+$0x0], $0xffff;
	[tilespmem:s28+$0x20] =	vst v13;
	s28 =	smov.u32 s26  }
0x15f: {  	v13 =	vor.u32 v20, v42;
	v20 =	vsel vm0, $0x1, v3;
	vm0 =	vge.f32 v10, v24;
	v24 =	vld.idx.msk [tilespmem:v19+s3+$0x0], $0xffff  }
0x160: {  	v33 =	vor.u32 v20, v43;
	v20 =	vsel vm0, $0x1, v3;
	vm0 =	vge.f32 v9, v17;
	v34 =	vld.idx.msk [tilespmem:v23+s3+$0x0], $0xffff  }
0x161: {  	vm1 =	vge.f32 v11, v30;
	v30 =	vor.u32 v20, v46;
	v23 =	vld.idx.msk [tilespmem:v16+s3+$0x0], $0xffff;
	v16 =	vsel vm0, $0x1, v3  }
0x162: {  	v22 =	vshll.u32 v18, $0x1;
	v17 =	vsel vm1, $0x1, v3;
	v35 =	vor.u32 v16, v47;
	v29 =	vld.idx.msk [tilespmem:v29+s3+$0x0], $0xffff  }
0x163: {  	v21 =	vshll.u32 v13, $0x1;
	v36 =	vor.u32 v17, v44;
	v38 =	vld.idx.msk [tilespmem:v18+s3+$0x0], $0xffff;
	v18 =	vshll.u32 v33, $0x1  }
0x164: {  	v17 =	vshll.u32 v30, $0x1;
	v20 =	vshll.u32 v36, $0x1;
	v16 =	vshll.u32 v35, $0x1;
	v39 =	vld.idx.msk [tilespmem:v13+s3+$0x0], $0xffff  }
0x165: {  	v26 =	vadd.f32 v26, v27;
	vm0 =	vge.f32 v4, v24;
	v13 =	vadd.f32 v45, v14;
	v33 =	vld.idx.msk [tilespmem:v33+s3+$0x0], $0xffff  }
0x166: {  	v14 =	vshll.u32 v19, $0x1;
	v19 =	vsel vm0, $0x1, v3;
	v24 =	vld.idx.msk [tilespmem:v30+s3+$0x0], $0xffff;
	v30 =	vadd.f32 v37, v31  }
.Ltmp1:
0x167: {  	v32 =	vadd.f32 v32, v34;
	vm0 =	vge.f32 v5, v23;
	v31 =	vor.u32 v19, v14;
	v23 =	vld.idx.msk [tilespmem:v35+s3+$0x0], $0xffff;
	(pc) =	sbr.rel @p1 .LBB2_5-.Ltmp1, $4  }
0x168: {  	v14 =	vsel vm0, $0x1, v3;
	v34 =	vand.u32 $0x5F, v31;
	v19 =	vadd.f32 v25, v29;
	v27 =	vld.idx.msk [tilespmem:v36+s3+$0x0], $0xffff;
	[tilespmem:s26+$0xFFFFFFD0] =	vst v13  }
0x169: {  	v14 =	vor.u32 v14, v28;
	vm0 =	vge.f32 v6, v38;
	v25 =	vor.u32 $0x20, v34;
	[tilespmem:s26+$0xFFFFFFE0] =	vst v26;
	v13 =	vld.idx.msk [tilespmem:v15+s3+$0x0], $0xffff  }
0x16a: {  	v15 =	vand.u32 $0x5F, v14;
	v29 =	vsel vm0, $0x1, v3;
	vm0 =	vge.f32 v7, v39;
	[tilespmem:s26+$0xFFFFFFF0] =	vst v30  }
0x16b: {  	v26 =	vadd.s32 $0x10, v31;
	v28 =	vsel vm0, $0x1, v3;
	vm0 =	vge.f32 v8, v33;
	[tilespmem:s26+$0x0] =	vst v32  }
0x16c: {  	_ = 	snop  }
0x16d: {  	v22 =	vor.u32 v29, v22;
	v15 =	vor.u32 $0x20, v15  }
0x16e: {  	v49 =	vsel vm0, $0x1, v3;
	vm14 =	vge.f32 v10, v24;
	v14 =	vadd.s32 $0x10, v14  }
0x16f: {  	v21 =	vor.u32 v28, v21;
	v52 =	vand.u32 $0x5F, v22;
	v22 =	vadd.s32 $0x10, v22  }
0x170: {  	vm15 =	vge.f32 v9, v23;
	v25 =	vld.idx.msk [tilespmem:v25+s3+$0x0], $0xffff;
	v53 =	vand.u32 $0x5F, v21;
	v21 =	vadd.s32 $0x10, v21  }
0x171: {  	v26 =	vld.idx.msk [tilespmem:v26+s3+$0x0], $0xffff;
	vm1 =	vge.f32 v11, v27;
	v18 =	vor.u32 v49, v18;
	v23 =	vor.u32 $0x20, v52  }
0x172: {  	v27 =	vsel vm1, $0x1, v3;
	v54 =	vand.u32 $0x5F, v18;
	v18 =	vadd.s32 $0x10, v18;
	v15 =	vld.idx.msk [tilespmem:v15+s3+$0x0], $0xffff  }
0x173: {  	v51 =	vsel vm14, $0x1, v3;
	v20 =	vor.u32 v27, v20;
	v27 =	vor.u32 $0x20, v53;
	v14 =	vld.idx.msk [tilespmem:v14+s3+$0x0], $0xffff  }
0x174: {  	v55 =	vsel vm15, $0x1, v3;
	v17 =	vor.u32 v51, v17;
	v28 =	vor.u32 $0x20, v54;
	v22 =	vld.idx.msk [tilespmem:v22+s3+$0x0], $0xffff  }
0x175: {  	v16 =	vor.u32 v55, v16;
	v30 =	vand.u32 $0x5F, v17;
	v17 =	vadd.s32 $0x10, v17;
	v21 =	vld.idx.msk [tilespmem:v21+s3+$0x0], $0xffff  }
0x176: {  	v57 =	vand.u32 $0x5F, v16;
	v56 =	vor.u32 $0x20, v30;
	v23 =	vld.idx.msk [tilespmem:v23+s3+$0x0], $0xffff  }
0x177: {  	v50 =	vand.u32 $0x5F, v20;
	v30 =	vor.u32 $0x20, v57;
	v59 =	vld.idx.msk [tilespmem:v18+s3+$0x0], $0xffff  }
0x178: {  	v24 =	vor.u32 $0x20, v50;
	v27 =	vld.idx.msk [tilespmem:v27+s3+$0x0], $0xffff  }
0x179: {  	v16 =	vadd.s32 $0x10, v16;
	v4 =	vmul.f32 v25, v4;
	v28 =	vld.idx.msk [tilespmem:v28+s3+$0x0], $0xffff  }
0x17a: {  	v20 =	vadd.s32 $0x10, v20;
	v61 =	vld.idx.msk [tilespmem:v17+s3+$0x0], $0xffff  }
0x17b: {  	v4 =	vadd.f32 v4, v26;
	v29 =	vld.idx.msk [tilespmem:v56+s3+$0x0], $0xffff  }
0x17c: {  	s25 =	sadd.s32 $0x80, s26;
	v30 =	vld.idx.msk [tilespmem:v30+s3+$0x0], $0xffff;
	v5 =	vmul.f32 v15, v5  }
0x17d: {  	v60 =	vadd.f32 v12, v13;
	[tilespmem:s25+$0x30] =	vst v4;
	v24 =	vld.idx.msk [tilespmem:v24+s3+$0x0], $0xffff;
	v4 =	vmul.f32 v23, v6  }
0x17e: {  	[tilespmem:s26+$0x10] =	vst v19;
	v62 =	vld.idx.msk [tilespmem:v16+s3+$0x0], $0xffff;
	v5 =	vadd.f32 v5, v14;
	v7 =	vmul.f32 v27, v7  }
0x17f: {  	[tilespmem:s28+$0x20] =	vst v60;
	v20 =	vld.idx.msk [tilespmem:v20+s3+$0x0], $0xffff;
	v8 =	vmul.f32 v28, v8;
	v4 =	vadd.f32 v4, v22  }
0x180: {  	v63 =	vmul.f32 v29, v10;
	[tilespmem:s25+$0xFFFFFFD0] =	vst v5;
	v7 =	vadd.f32 v7, v21  }
0x181: {  	v5 =	vmul.f32 v30, v9;
	v8 =	vadd.f32 v8, v59;
	[tilespmem:s25+$0xFFFFFFE0] =	vst v4  }
0x182: {  	v58 =	vmul.f32 v24, v11;
	v4 =	vadd.f32 v63, v61;
	[tilespmem:s25+$0xFFFFFFF0] =	vst v7  }
0x183: {  	v5 =	vadd.f32 v5, v62;
	[tilespmem:s25+$0x0] =	vst v8  }
0x184: {  	s26 =	sadd.s32 @!p0 s24, s10;
	v11 =	vadd.f32 v58, v20;
	[tilespmem:s25+$0x10] =	vst v4  }
0x185: {  	s23 =	sadd.s32 $0x1, s23;
	s26 =	sshrl.u32 @!p0 s26, $0x3;
	[tilespmem:s25+$0x20] =	vst v5  }
0x186: {  	s28 =	simm.s32 @!p0 $0x4080;
	[tilespmem:s25+$0xFFFFFFC0] =	vst v11;
	s25 =	sadd.s32 @!p0 s2, s26;
	s26 =	simm.s32 @!p0 $0x0  }
0x187: {  	[tilespmem:s28], [sflag:$0x2] =	stream.linear.gather @!p0 [hbm4b:s25+s26], $0x4000, $0x38;
	[tilespmem:$0x10080] =	vst v63  }
0x188: {  	p0 =	sne.s32 s23, $0x6  }
.Ltmp2:
0x189: {  	_ = 	snop;
	(pc) =	sbr.rel @p0 .LBB2_2-.Ltmp2, $4  }
0x18a: {  	s31 =	sadd.s32 s24, s11  }
0x18b: {  	s24 =	sshrl.u32 s31, $0x3  }
0x18c: {  	s24 =	sadd.s32 s6, s24  }
0x18d: {  	[hbm4b:s24+s3] =	stream.linear.scatter [tilespmem:s19], [sflag:$0x4], $0x4000, $0x38;
	[tilespmem:$0x10080] =	vst v63  }
0x18e: {  	s22 =	sadd.s32 $0x1, s22  }
0x18f: {  	_ =	swait.ge [sflag:s20], $0x4000;
	p0 =	sne.s32 s22, s12  }
.Ltmp3:
0x190: {  	[sflag:s20] =	ssyncset.done $0x0;
	(pc) =	sbr.rel @p0 .LBB2_1-.Ltmp3, $4  }
0x191: {  	[sflag:s20] =	ssyncadd.s32 $0xFFFFC000  }
0x192: {  	_ =	swait.ge [sflag:s21], $0x4000  }
0x193: {  	[sflag:s21] =	ssyncset.done $0x0  }
0x194: {  	[sflag:s21] =	ssyncadd.s32 $0xFFFFC000  }
0x195: {  	_ =	sfence.sel $0x180000  }
0x196: {  	[bflag:$0x0] =	sbarrier.arrive $0xFFFF  }
0x197: {  	p0 =	sne.s32 s0, $0x0;
	_ =	strace $0x90000047  }
0x198: {  	s0 =	sadd.s32 @!p0 $0x100000, s1;
	[bflag:$0x2] =	sbarrier.arrive $0xFFFF  }
0x199: {  	[sflag:s0] =	ssyncadd.tile.s32 @!p0 $0x1;
	_ =	shalt  }
.Lfunc_end2:
_tile_overlayer_lowered:
.L_overlay_start_2:
0x19a: {  	(tag) =	ssettag $0x2  }
0x19b: {  	s0 =	rddreg [dreg:$0x0];
	s2 =	stileid.u32  }
0x19c: {  	s1 =	rddreg [dreg:$0x1];
	p0 =	sne.s32 s2, $0x0  }
0x19d: {  	s3 =	rddreg [dreg:$0x2];
	[bflag:$0x3] =	sbarrier.arrive $0xFFFF;
	s2 =	simm.s32 @!p0 $0x1C05  }
0x19e: {  	[timem:s3], [sflag:s2] =	dma.local @!p0 [hbm:s0], s1  }
0x19f: {  	s0 =	simm.s32 @!p0 $0x5  }
0x1a0: {  	_ =	swait.ge @!p0 [sflag:s0], s1  }
0x1a1: {  	s1 =	ssub.s32 @!p0 $0x0, s1;
	[sflag:s0] =	ssyncset.done @!p0 $0x0  }
0x1a2: {  	[sflag:s0] =	ssyncadd.s32 @!p0 s1  }
0x1a3: {  	[bflag:$0x3] =	sbarrier.arrive $0xFFFF  }
0x1a4: {  	_ =	shalt  }

</sc_bundles>
